<compile_context>
chip_gen: v7x
topology: tpu7x:2x2x1
jax: 0.10.2.dev20260603
libtpu: 0.0.44.dev20260713+nightly
codegen_flags: <defaults>
</compile_context>

<pallas_src>
import functools

import jax
import jax.numpy as jnp
from jax import lax
from jax.experimental import pallas as pl
from jax.experimental.pallas import tpu as pltpu
from jax.experimental.pallas import tpu_sc as plsc

_B0, _B1 = 4096, 50
_D = 128
_NC, _NS = 2, 16
_NW = _NC * _NS
_B = _B0 * _B1
_BW = _B // _NW
_C = 128
_NCHUNK = _BW // _C
_NBUF = 5
_LOOK = 2
_NGRP = _NCHUNK // _NBUF

_mesh = plsc.VectorSubcoreMesh(
    core_axis_name="c", subcore_axis_name="s", num_cores=_NC, num_subcores=_NS
)


@functools.partial(
    pl.kernel,
    out_type=jax.ShapeDtypeStruct((_B, _D), jnp.float32),
    mesh=_mesh,
    scratch_types=[
        pltpu.VMEM((_NCHUNK, _C), jnp.int32),
        pltpu.VMEM((_NBUF, _C, _D), jnp.float32),
        [pltpu.SemaphoreType.DMA] * _NBUF,
        [pltpu.SemaphoreType.DMA] * _NBUF,
    ],
)
def _gather(idx_hbm, table_hbm, out_hbm, idx_v, rows_v, gsems, wsems):
    wid = lax.axis_index("s") * _NC + lax.axis_index("c")
    base = wid * _BW
    pltpu.sync_copy(idx_hbm.at[wid], idx_v)

    def gstart(j, s):
        pltpu.async_copy(table_hbm.at[idx_v.at[j]], rows_v.at[s], gsems[s])

    def gwait(s):
        pltpu.make_async_copy(table_hbm.at[pl.ds(0, _C)], rows_v.at[s], gsems[s]).wait()

    def wstart(j, s):
        pltpu.async_copy(rows_v.at[s], out_hbm.at[pl.ds(base + j * _C, _C)], wsems[s])

    def wwait(s):
        pltpu.make_async_copy(rows_v.at[s], out_hbm.at[pl.ds(base, _C)], wsems[s]).wait()

    for j in range(_LOOK):
        gstart(j, j)

    def visit(j, s, sp, prefetch, drain_prev_write):
        gwait(s)
        wstart(j, s)
        if prefetch:
            if drain_prev_write:
                wwait(sp)
            gstart(j + _LOOK, sp)

    for j in range(_NBUF):
        visit(j, j, (j + _LOOK) % _NBUF, True, j + _LOOK >= _NBUF)

    @pl.loop(1, _NGRP - 1)
    def _grp(g):
        jg = g * _NBUF
        for b in range(_NBUF):
            visit(jg + b, b, (b + _LOOK) % _NBUF, True, True)

    jg = (_NGRP - 1) * _NBUF
    for b in range(_NBUF):
        visit(jg + b, b, (b + _LOOK) % _NBUF, jg + b + _LOOK < _NCHUNK, True)

    for s in range(_NBUF):
        wwait(s)


@jax.jit
def kernel(x, table):
    idx = x.reshape(_NW, _NCHUNK, _C).astype(jnp.int32)
    out = _gather(idx, table)
    return out.reshape(_B0, _B1, _D)

# --- scband reference (transcript-rebuilt; emitter-appended) ---
"""Pipeline reference for scband-word-embedding-16612933501395 (READ-ONLY COPY).

The authoritative reference and input builder live on the scoring server;
editing this copy changes nothing except your own understanding.
"""

import jax, jax.numpy as jnp
import numpy as np

NUM_EMBEDDINGS = 100000
EMBEDDING_DIM = 128

def setup_inputs(seed: int = 0) -> dict:
    key = jax.random.key(seed)
    k1, k2 = jax.random.split(key)
    x = jax.random.randint(k1, (4096, 50), 0, NUM_EMBEDDINGS, dtype=jnp.int64 if jax.config.jax_enable_x64 else jnp.int32)
    table = jax.random.normal(k2, (NUM_EMBEDDINGS, EMBEDDING_DIM), dtype=jnp.float32)
    return {"x": x, "table": table}

def reference(x, table):
    # nn.Embedding forward: row gather from the embedding table
    return jnp.take(table, x, axis=0)

if __name__ == "__main__":
    import jax
    _d = setup_inputs()
    print(jax.jit(kernel)(*tuple(_d.values())))

</pallas_src>

<mosaic_0001>
#map = affine_map<(d0, d1) -> (0, 0, 0)>
#map1 = affine_map<(d0, d1) -> (0, 0)>
module attributes {stable_mosaic.version = 14 : i64} {
  func.func @_gather(%arg0: i32, %arg1: i32, %arg2: memref<32x50x128xi32, #tpu.memory_space<hbm>>, %arg3: memref<100000x128xf32, #tpu.memory_space<hbm>>, %arg4: memref<204800x128xf32, #tpu.memory_space<hbm>>, %arg5: memref<50x128xi32, #tpu.memory_space<vmem>>, %arg6: memref<5x128x128xf32, #tpu.memory_space<vmem>>, %arg7: memref<!tpu.dma_semaphore, #tpu.memory_space<semaphore_mem>>, %arg8: memref<!tpu.dma_semaphore, #tpu.memory_space<semaphore_mem>>, %arg9: memref<!tpu.dma_semaphore, #tpu.memory_space<semaphore_mem>>, %arg10: memref<!tpu.dma_semaphore, #tpu.memory_space<semaphore_mem>>, %arg11: memref<!tpu.dma_semaphore, #tpu.memory_space<semaphore_mem>>, %arg12: memref<!tpu.dma_semaphore, #tpu.memory_space<semaphore_mem>>, %arg13: memref<!tpu.dma_semaphore, #tpu.memory_space<semaphore_mem>>, %arg14: memref<!tpu.dma_semaphore, #tpu.memory_space<semaphore_mem>>, %arg15: memref<!tpu.dma_semaphore, #tpu.memory_space<semaphore_mem>>, %arg16: memref<!tpu.dma_semaphore, #tpu.memory_space<semaphore_mem>>) attributes {dimension_semantics = [#tpu.dimension_semantics<core_parallel>, #tpu.dimension_semantics<subcore_parallel>], iteration_bounds = array<i64: 2, 16>, scalar_prefetch = 0 : i64, scratch_operands = 12 : i64, tpu.core_type = #tpu.core_type<sc_vector_subcore>, window_params = [{transform_indices = #map}, {transform_indices = #map1}, {transform_indices = #map1}]} {
    %mul3A = arith.constant 2 : i32
    %mul3A_0 = arith.muli %arg1, %mul3A : i32
    %add3A = arith.addi %mul3A_0, %arg0 : i32
    %mul3A_1 = arith.constant 6400 : i32
    %mul3A_2 = arith.muli %add3A, %mul3A_1 : i32
    "tpu.region"() ({
      %run_scoped3A = tpu.sem_alloc : memref<!tpu.dma_semaphore, #tpu.memory_space<semaphore_mem>>
      %dma_start3A_555 = arith.constant 0 : i32
      %dma_start3A_556 = arith.constant 0 : i32
      %dma_start3A_557 = tpu.memref_slice %arg2[%add3A, %dma_start3A_555, %dma_start3A_556] : memref<32x50x128xi32, #tpu.memory_space<hbm>> -> memref<1x50x128xi32, #tpu.memory_space<hbm>>
      %dma_start3A_558 = tpu.memref_squeeze %dma_start3A_557 : memref<1x50x128xi32, #tpu.memory_space<hbm>> -> memref<50x128xi32, #tpu.memory_space<hbm>>
      %dma_start3A_559 = arith.constant 0 : i32
      %dma_start3A_560 = arith.constant 0 : i32
      %dma_start3A_561 = tpu.memref_slice %arg2[%add3A, %dma_start3A_559, %dma_start3A_560] : memref<32x50x128xi32, #tpu.memory_space<hbm>> -> memref<1x50x128xi32, #tpu.memory_space<hbm>>
      %dma_start3A_562 = tpu.memref_squeeze %dma_start3A_561 : memref<1x50x128xi32, #tpu.memory_space<hbm>> -> memref<50x128xi32, #tpu.memory_space<hbm>>
      tpu.enqueue_dma source(%dma_start3A_562 : memref<50x128xi32, #tpu.memory_space<hbm>>) target(%arg5 : memref<50x128xi32, #tpu.memory_space<vmem>>) target_semaphore(%run_scoped3A : memref<!tpu.dma_semaphore, #tpu.memory_space<semaphore_mem>>)
      %dma_wait3A_563 = arith.constant 0 : i32
      %dma_wait3A_564 = arith.constant 0 : i32
      %dma_wait3A_565 = tpu.memref_slice %arg2[%add3A, %dma_wait3A_563, %dma_wait3A_564] : memref<32x50x128xi32, #tpu.memory_space<hbm>> -> memref<1x50x128xi32, #tpu.memory_space<hbm>>
      %dma_wait3A_566 = tpu.memref_squeeze %dma_wait3A_565 : memref<1x50x128xi32, #tpu.memory_space<hbm>> -> memref<50x128xi32, #tpu.memory_space<hbm>>
      %dma_wait3A_567 = arith.constant 0 : i32
      %dma_wait3A_568 = arith.constant 0 : i32
      %dma_wait3A_569 = tpu.memref_slice %arg2[%add3A, %dma_wait3A_567, %dma_wait3A_568] : memref<32x50x128xi32, #tpu.memory_space<hbm>> -> memref<1x50x128xi32, #tpu.memory_space<hbm>>
      %dma_wait3A_570 = tpu.memref_squeeze %dma_wait3A_569 : memref<1x50x128xi32, #tpu.memory_space<hbm>> -> memref<50x128xi32, #tpu.memory_space<hbm>>
      tpu.wait_dma2 semaphore(%run_scoped3A : memref<!tpu.dma_semaphore, #tpu.memory_space<semaphore_mem>>) src(%dma_wait3A_570 : memref<50x128xi32, #tpu.memory_space<hbm>>) dst(%arg5 : memref<50x128xi32, #tpu.memory_space<vmem>>)
      tpu.yield
    }) : () -> ()
    %dma_start3A = arith.constant 0 : i32
    %dma_start3A_3 = arith.constant 0 : i32
    %dma_start3A_4 = arith.constant 0 : i32
    %dma_start3A_5 = arith.constant 0 : i32
    %dma_start3A_6 = tpu.memref_slice %arg6[%dma_start3A_3, %dma_start3A_4, %dma_start3A_5] : memref<5x128x128xf32, #tpu.memory_space<vmem>> -> memref<1x128x128xf32, #tpu.memory_space<vmem>>
    %dma_start3A_7 = tpu.memref_squeeze %dma_start3A_6 : memref<1x128x128xf32, #tpu.memory_space<vmem>> -> memref<128x128xf32, #tpu.memory_space<vmem>>
    %dma_start3A_8 = arith.constant 0 : i32
    %dma_start3A_9 = tpu.memref_slice %arg5[%dma_start3A, %dma_start3A_8] : memref<50x128xi32, #tpu.memory_space<vmem>> -> memref<1x128xi32, #tpu.memory_space<vmem>>
    %dma_start3A_10 = tpu.memref_squeeze %dma_start3A_9 : memref<1x128xi32, #tpu.memory_space<vmem>> -> memref<128xi32, #tpu.memory_space<vmem>>
    %dma_start3A_11 = arith.constant 0 : i32
    %dma_start3A_12 = arith.constant 0 : i32
    %dma_start3A_13 = tpu.memref_slice %arg3[%dma_start3A_11, %dma_start3A_12] : memref<100000x128xf32, #tpu.memory_space<hbm>> -> memref<100000x128xf32, #tpu.memory_space<hbm>>
    tpu.enqueue_indirect_dma source(%dma_start3A_13 : memref<100000x128xf32, #tpu.memory_space<hbm>>) target(%dma_start3A_7 : memref<128x128xf32, #tpu.memory_space<vmem>>) offsets(%dma_start3A_10 : memref<128xi32, #tpu.memory_space<vmem>>) semaphore(%arg7 : memref<!tpu.dma_semaphore, #tpu.memory_space<semaphore_mem>>)
    %dma_start3A_14 = arith.constant 1 : i32
    %dma_start3A_15 = arith.constant 1 : i32
    %dma_start3A_16 = arith.constant 0 : i32
    %dma_start3A_17 = arith.constant 0 : i32
    %dma_start3A_18 = tpu.memref_slice %arg6[%dma_start3A_15, %dma_start3A_16, %dma_start3A_17] : memref<5x128x128xf32, #tpu.memory_space<vmem>> -> memref<1x128x128xf32, #tpu.memory_space<vmem>>
    %dma_start3A_19 = tpu.memref_squeeze %dma_start3A_18 : memref<1x128x128xf32, #tpu.memory_space<vmem>> -> memref<128x128xf32, #tpu.memory_space<vmem>>
    %dma_start3A_20 = arith.constant 0 : i32
    %dma_start3A_21 = tpu.memref_slice %arg5[%dma_start3A_14, %dma_start3A_20] : memref<50x128xi32, #tpu.memory_space<vmem>> -> memref<1x128xi32, #tpu.memory_space<vmem>>
    %dma_start3A_22 = tpu.memref_squeeze %dma_start3A_21 : memref<1x128xi32, #tpu.memory_space<vmem>> -> memref<128xi32, #tpu.memory_space<vmem>>
    %dma_start3A_23 = arith.constant 0 : i32
    %dma_start3A_24 = arith.constant 0 : i32
    %dma_start3A_25 = tpu.memref_slice %arg3[%dma_start3A_23, %dma_start3A_24] : memref<100000x128xf32, #tpu.memory_space<hbm>> -> memref<100000x128xf32, #tpu.memory_space<hbm>>
    tpu.enqueue_indirect_dma source(%dma_start3A_25 : memref<100000x128xf32, #tpu.memory_space<hbm>>) target(%dma_start3A_19 : memref<128x128xf32, #tpu.memory_space<vmem>>) offsets(%dma_start3A_22 : memref<128xi32, #tpu.memory_space<vmem>>) semaphore(%arg8 : memref<!tpu.dma_semaphore, #tpu.memory_space<semaphore_mem>>)
    %dma_wait3A = arith.constant 0 : i32
    %dma_wait3A_26 = arith.constant 0 : i32
    %dma_wait3A_27 = arith.constant 0 : i32
    %dma_wait3A_28 = tpu.memref_slice %arg6[%dma_wait3A, %dma_wait3A_26, %dma_wait3A_27] : memref<5x128x128xf32, #tpu.memory_space<vmem>> -> memref<1x128x128xf32, #tpu.memory_space<vmem>>
    %dma_wait3A_29 = tpu.memref_squeeze %dma_wait3A_28 : memref<1x128x128xf32, #tpu.memory_space<vmem>> -> memref<128x128xf32, #tpu.memory_space<vmem>>
    %dma_wait3A_30 = arith.constant 0 : i32
    %dma_wait3A_31 = arith.constant 0 : i32
    %dma_wait3A_32 = tpu.memref_slice %arg3[%dma_wait3A_30, %dma_wait3A_31] : memref<100000x128xf32, #tpu.memory_space<hbm>> -> memref<128x128xf32, #tpu.memory_space<hbm>>
    %dma_wait3A_33 = arith.constant 0 : i32
    %dma_wait3A_34 = arith.constant 0 : i32
    %dma_wait3A_35 = tpu.memref_slice %arg6[%dma_wait3A, %dma_wait3A_33, %dma_wait3A_34] : memref<5x128x128xf32, #tpu.memory_space<vmem>> -> memref<1x128x128xf32, #tpu.memory_space<vmem>>
    %dma_wait3A_36 = tpu.memref_squeeze %dma_wait3A_35 : memref<1x128x128xf32, #tpu.memory_space<vmem>> -> memref<128x128xf32, #tpu.memory_space<vmem>>
    %dma_wait3A_37 = arith.constant 0 : i32
    %dma_wait3A_38 = arith.constant 0 : i32
    %dma_wait3A_39 = tpu.memref_slice %arg3[%dma_wait3A_37, %dma_wait3A_38] : memref<100000x128xf32, #tpu.memory_space<hbm>> -> memref<128x128xf32, #tpu.memory_space<hbm>>
    tpu.wait_dma2 semaphore(%arg7 : memref<!tpu.dma_semaphore, #tpu.memory_space<semaphore_mem>>) src(%dma_wait3A_39 : memref<128x128xf32, #tpu.memory_space<hbm>>) dst(%dma_wait3A_36 : memref<128x128xf32, #tpu.memory_space<vmem>>)
    %add3A_40 = arith.constant 0 : i32
    %add3A_41 = arith.addi %mul3A_2, %add3A_40 : i32
    %dma_start3A_42 = arith.constant 0 : i32
    %dma_start3A_43 = arith.constant 0 : i32
    %dma_start3A_44 = arith.constant 0 : i32
    %dma_start3A_45 = tpu.memref_slice %arg6[%dma_start3A_42, %dma_start3A_43, %dma_start3A_44] : memref<5x128x128xf32, #tpu.memory_space<vmem>> -> memref<1x128x128xf32, #tpu.memory_space<vmem>>
    %dma_start3A_46 = tpu.memref_squeeze %dma_start3A_45 : memref<1x128x128xf32, #tpu.memory_space<vmem>> -> memref<128x128xf32, #tpu.memory_space<vmem>>
    %dma_start3A_47 = arith.constant 0 : i32
    %dma_start3A_48 = tpu.memref_slice %arg4[%add3A_41, %dma_start3A_47] : memref<204800x128xf32, #tpu.memory_space<hbm>> -> memref<128x128xf32, #tpu.memory_space<hbm>>
    %dma_start3A_49 = arith.constant 0 : i32
    %dma_start3A_50 = tpu.memref_slice %arg4[%add3A_41, %dma_start3A_49] : memref<204800x128xf32, #tpu.memory_space<hbm>> -> memref<128x128xf32, #tpu.memory_space<hbm>>
    %dma_start3A_51 = arith.constant 0 : i32
    %dma_start3A_52 = arith.constant 0 : i32
    %dma_start3A_53 = tpu.memref_slice %arg6[%dma_start3A_42, %dma_start3A_51, %dma_start3A_52] : memref<5x128x128xf32, #tpu.memory_space<vmem>> -> memref<1x128x128xf32, #tpu.memory_space<vmem>>
    %dma_start3A_54 = tpu.memref_squeeze %dma_start3A_53 : memref<1x128x128xf32, #tpu.memory_space<vmem>> -> memref<128x128xf32, #tpu.memory_space<vmem>>
    tpu.enqueue_dma source(%dma_start3A_54 : memref<128x128xf32, #tpu.memory_space<vmem>>) target(%dma_start3A_50 : memref<128x128xf32, #tpu.memory_space<hbm>>) target_semaphore(%arg12 : memref<!tpu.dma_semaphore, #tpu.memory_space<semaphore_mem>>)
    %dma_start3A_55 = arith.constant 2 : i32
    %dma_start3A_56 = arith.constant 2 : i32
    %dma_start3A_57 = arith.constant 0 : i32
    %dma_start3A_58 = arith.constant 0 : i32
    %dma_start3A_59 = tpu.memref_slice %arg6[%dma_start3A_56, %dma_start3A_57, %dma_start3A_58] : memref<5x128x128xf32, #tpu.memory_space<vmem>> -> memref<1x128x128xf32, #tpu.memory_space<vmem>>
    %dma_start3A_60 = tpu.memref_squeeze %dma_start3A_59 : memref<1x128x128xf32, #tpu.memory_space<vmem>> -> memref<128x128xf32, #tpu.memory_space<vmem>>
    %dma_start3A_61 = arith.constant 0 : i32
    %dma_start3A_62 = tpu.memref_slice %arg5[%dma_start3A_55, %dma_start3A_61] : memref<50x128xi32, #tpu.memory_space<vmem>> -> memref<1x128xi32, #tpu.memory_space<vmem>>
    %dma_start3A_63 = tpu.memref_squeeze %dma_start3A_62 : memref<1x128xi32, #tpu.memory_space<vmem>> -> memref<128xi32, #tpu.memory_space<vmem>>
    %dma_start3A_64 = arith.constant 0 : i32
    %dma_start3A_65 = arith.constant 0 : i32
    %dma_start3A_66 = tpu.memref_slice %arg3[%dma_start3A_64, %dma_start3A_65] : memref<100000x128xf32, #tpu.memory_space<hbm>> -> memref<100000x128xf32, #tpu.memory_space<hbm>>
    tpu.enqueue_indirect_dma source(%dma_start3A_66 : memref<100000x128xf32, #tpu.memory_space<hbm>>) target(%dma_start3A_60 : memref<128x128xf32, #tpu.memory_space<vmem>>) offsets(%dma_start3A_63 : memref<128xi32, #tpu.memory_space<vmem>>) semaphore(%arg9 : memref<!tpu.dma_semaphore, #tpu.memory_space<semaphore_mem>>)
    %dma_wait3A_67 = arith.constant 1 : i32
    %dma_wait3A_68 = arith.constant 0 : i32
    %dma_wait3A_69 = arith.constant 0 : i32
    %dma_wait3A_70 = tpu.memref_slice %arg6[%dma_wait3A_67, %dma_wait3A_68, %dma_wait3A_69] : memref<5x128x128xf32, #tpu.memory_space<vmem>> -> memref<1x128x128xf32, #tpu.memory_space<vmem>>
    %dma_wait3A_71 = tpu.memref_squeeze %dma_wait3A_70 : memref<1x128x128xf32, #tpu.memory_space<vmem>> -> memref<128x128xf32, #tpu.memory_space<vmem>>
    %dma_wait3A_72 = arith.constant 0 : i32
    %dma_wait3A_73 = arith.constant 0 : i32
    %dma_wait3A_74 = tpu.memref_slice %arg3[%dma_wait3A_72, %dma_wait3A_73] : memref<100000x128xf32, #tpu.memory_space<hbm>> -> memref<128x128xf32, #tpu.memory_space<hbm>>
    %dma_wait3A_75 = arith.constant 0 : i32
    %dma_wait3A_76 = arith.constant 0 : i32
    %dma_wait3A_77 = tpu.memref_slice %arg6[%dma_wait3A_67, %dma_wait3A_75, %dma_wait3A_76] : memref<5x128x128xf32, #tpu.memory_space<vmem>> -> memref<1x128x128xf32, #tpu.memory_space<vmem>>
    %dma_wait3A_78 = tpu.memref_squeeze %dma_wait3A_77 : memref<1x128x128xf32, #tpu.memory_space<vmem>> -> memref<128x128xf32, #tpu.memory_space<vmem>>
    %dma_wait3A_79 = arith.constant 0 : i32
    %dma_wait3A_80 = arith.constant 0 : i32
    %dma_wait3A_81 = tpu.memref_slice %arg3[%dma_wait3A_79, %dma_wait3A_80] : memref<100000x128xf32, #tpu.memory_space<hbm>> -> memref<128x128xf32, #tpu.memory_space<hbm>>
    tpu.wait_dma2 semaphore(%arg8 : memref<!tpu.dma_semaphore, #tpu.memory_space<semaphore_mem>>) src(%dma_wait3A_81 : memref<128x128xf32, #tpu.memory_space<hbm>>) dst(%dma_wait3A_78 : memref<128x128xf32, #tpu.memory_space<vmem>>)
    %add3A_82 = arith.constant 128 : i32
    %add3A_83 = arith.addi %mul3A_2, %add3A_82 : i32
    %dma_start3A_84 = arith.constant 1 : i32
    %dma_start3A_85 = arith.constant 0 : i32
    %dma_start3A_86 = arith.constant 0 : i32
    %dma_start3A_87 = tpu.memref_slice %arg6[%dma_start3A_84, %dma_start3A_85, %dma_start3A_86] : memref<5x128x128xf32, #tpu.memory_space<vmem>> -> memref<1x128x128xf32, #tpu.memory_space<vmem>>
    %dma_start3A_88 = tpu.memref_squeeze %dma_start3A_87 : memref<1x128x128xf32, #tpu.memory_space<vmem>> -> memref<128x128xf32, #tpu.memory_space<vmem>>
    %dma_start3A_89 = arith.constant 0 : i32
    %dma_start3A_90 = tpu.memref_slice %arg4[%add3A_83, %dma_start3A_89] : memref<204800x128xf32, #tpu.memory_space<hbm>> -> memref<128x128xf32, #tpu.memory_space<hbm>>
    %dma_start3A_91 = arith.constant 0 : i32
    %dma_start3A_92 = tpu.memref_slice %arg4[%add3A_83, %dma_start3A_91] : memref<204800x128xf32, #tpu.memory_space<hbm>> -> memref<128x128xf32, #tpu.memory_space<hbm>>
    %dma_start3A_93 = arith.constant 0 : i32
    %dma_start3A_94 = arith.constant 0 : i32
    %dma_start3A_95 = tpu.memref_slice %arg6[%dma_start3A_84, %dma_start3A_93, %dma_start3A_94] : memref<5x128x128xf32, #tpu.memory_space<vmem>> -> memref<1x128x128xf32, #tpu.memory_space<vmem>>
    %dma_start3A_96 = tpu.memref_squeeze %dma_start3A_95 : memref<1x128x128xf32, #tpu.memory_space<vmem>> -> memref<128x128xf32, #tpu.memory_space<vmem>>
    tpu.enqueue_dma source(%dma_start3A_96 : memref<128x128xf32, #tpu.memory_space<vmem>>) target(%dma_start3A_92 : memref<128x128xf32, #tpu.memory_space<hbm>>) target_semaphore(%arg13 : memref<!tpu.dma_semaphore, #tpu.memory_space<semaphore_mem>>)
    %dma_start3A_97 = arith.constant 3 : i32
    %dma_start3A_98 = arith.constant 3 : i32
    %dma_start3A_99 = arith.constant 0 : i32
    %dma_start3A_100 = arith.constant 0 : i32
    %dma_start3A_101 = tpu.memref_slice %arg6[%dma_start3A_98, %dma_start3A_99, %dma_start3A_100] : memref<5x128x128xf32, #tpu.memory_space<vmem>> -> memref<1x128x128xf32, #tpu.memory_space<vmem>>
    %dma_start3A_102 = tpu.memref_squeeze %dma_start3A_101 : memref<1x128x128xf32, #tpu.memory_space<vmem>> -> memref<128x128xf32, #tpu.memory_space<vmem>>
    %dma_start3A_103 = arith.constant 0 : i32
    %dma_start3A_104 = tpu.memref_slice %arg5[%dma_start3A_97, %dma_start3A_103] : memref<50x128xi32, #tpu.memory_space<vmem>> -> memref<1x128xi32, #tpu.memory_space<vmem>>
    %dma_start3A_105 = tpu.memref_squeeze %dma_start3A_104 : memref<1x128xi32, #tpu.memory_space<vmem>> -> memref<128xi32, #tpu.memory_space<vmem>>
    %dma_start3A_106 = arith.constant 0 : i32
    %dma_start3A_107 = arith.constant 0 : i32
    %dma_start3A_108 = tpu.memref_slice %arg3[%dma_start3A_106, %dma_start3A_107] : memref<100000x128xf32, #tpu.memory_space<hbm>> -> memref<100000x128xf32, #tpu.memory_space<hbm>>
    tpu.enqueue_indirect_dma source(%dma_start3A_108 : memref<100000x128xf32, #tpu.memory_space<hbm>>) target(%dma_start3A_102 : memref<128x128xf32, #tpu.memory_space<vmem>>) offsets(%dma_start3A_105 : memref<128xi32, #tpu.memory_space<vmem>>) semaphore(%arg10 : memref<!tpu.dma_semaphore, #tpu.memory_space<semaphore_mem>>)
    %dma_wait3A_109 = arith.constant 2 : i32
    %dma_wait3A_110 = arith.constant 0 : i32
    %dma_wait3A_111 = arith.constant 0 : i32
    %dma_wait3A_112 = tpu.memref_slice %arg6[%dma_wait3A_109, %dma_wait3A_110, %dma_wait3A_111] : memref<5x128x128xf32, #tpu.memory_space<vmem>> -> memref<1x128x128xf32, #tpu.memory_space<vmem>>
    %dma_wait3A_113 = tpu.memref_squeeze %dma_wait3A_112 : memref<1x128x128xf32, #tpu.memory_space<vmem>> -> memref<128x128xf32, #tpu.memory_space<vmem>>
    %dma_wait3A_114 = arith.constant 0 : i32
    %dma_wait3A_115 = arith.constant 0 : i32
    %dma_wait3A_116 = tpu.memref_slice %arg3[%dma_wait3A_114, %dma_wait3A_115] : memref<100000x128xf32, #tpu.memory_space<hbm>> -> memref<128x128xf32, #tpu.memory_space<hbm>>
    %dma_wait3A_117 = arith.constant 0 : i32
    %dma_wait3A_118 = arith.constant 0 : i32
    %dma_wait3A_119 = tpu.memref_slice %arg6[%dma_wait3A_109, %dma_wait3A_117, %dma_wait3A_118] : memref<5x128x128xf32, #tpu.memory_space<vmem>> -> memref<1x128x128xf32, #tpu.memory_space<vmem>>
    %dma_wait3A_120 = tpu.memref_squeeze %dma_wait3A_119 : memref<1x128x128xf32, #tpu.memory_space<vmem>> -> memref<128x128xf32, #tpu.memory_space<vmem>>
    %dma_wait3A_121 = arith.constant 0 : i32
    %dma_wait3A_122 = arith.constant 0 : i32
    %dma_wait3A_123 = tpu.memref_slice %arg3[%dma_wait3A_121, %dma_wait3A_122] : memref<100000x128xf32, #tpu.memory_space<hbm>> -> memref<128x128xf32, #tpu.memory_space<hbm>>
    tpu.wait_dma2 semaphore(%arg9 : memref<!tpu.dma_semaphore, #tpu.memory_space<semaphore_mem>>) src(%dma_wait3A_123 : memref<128x128xf32, #tpu.memory_space<hbm>>) dst(%dma_wait3A_120 : memref<128x128xf32, #tpu.memory_space<vmem>>)
    %add3A_124 = arith.constant 256 : i32
    %add3A_125 = arith.addi %mul3A_2, %add3A_124 : i32
    %dma_start3A_126 = arith.constant 2 : i32
    %dma_start3A_127 = arith.constant 0 : i32
    %dma_start3A_128 = arith.constant 0 : i32
    %dma_start3A_129 = tpu.memref_slice %arg6[%dma_start3A_126, %dma_start3A_127, %dma_start3A_128] : memref<5x128x128xf32, #tpu.memory_space<vmem>> -> memref<1x128x128xf32, #tpu.memory_space<vmem>>
    %dma_start3A_130 = tpu.memref_squeeze %dma_start3A_129 : memref<1x128x128xf32, #tpu.memory_space<vmem>> -> memref<128x128xf32, #tpu.memory_space<vmem>>
    %dma_start3A_131 = arith.constant 0 : i32
    %dma_start3A_132 = tpu.memref_slice %arg4[%add3A_125, %dma_start3A_131] : memref<204800x128xf32, #tpu.memory_space<hbm>> -> memref<128x128xf32, #tpu.memory_space<hbm>>
    %dma_start3A_133 = arith.constant 0 : i32
    %dma_start3A_134 = tpu.memref_slice %arg4[%add3A_125, %dma_start3A_133] : memref<204800x128xf32, #tpu.memory_space<hbm>> -> memref<128x128xf32, #tpu.memory_space<hbm>>
    %dma_start3A_135 = arith.constant 0 : i32
    %dma_start3A_136 = arith.constant 0 : i32
    %dma_start3A_137 = tpu.memref_slice %arg6[%dma_start3A_126, %dma_start3A_135, %dma_start3A_136] : memref<5x128x128xf32, #tpu.memory_space<vmem>> -> memref<1x128x128xf32, #tpu.memory_space<vmem>>
    %dma_start3A_138 = tpu.memref_squeeze %dma_start3A_137 : memref<1x128x128xf32, #tpu.memory_space<vmem>> -> memref<128x128xf32, #tpu.memory_space<vmem>>
    tpu.enqueue_dma source(%dma_start3A_138 : memref<128x128xf32, #tpu.memory_space<vmem>>) target(%dma_start3A_134 : memref<128x128xf32, #tpu.memory_space<hbm>>) target_semaphore(%arg14 : memref<!tpu.dma_semaphore, #tpu.memory_space<semaphore_mem>>)
    %dma_start3A_139 = arith.constant 4 : i32
    %dma_start3A_140 = arith.constant 4 : i32
    %dma_start3A_141 = arith.constant 0 : i32
    %dma_start3A_142 = arith.constant 0 : i32
    %dma_start3A_143 = tpu.memref_slice %arg6[%dma_start3A_140, %dma_start3A_141, %dma_start3A_142] : memref<5x128x128xf32, #tpu.memory_space<vmem>> -> memref<1x128x128xf32, #tpu.memory_space<vmem>>
    %dma_start3A_144 = tpu.memref_squeeze %dma_start3A_143 : memref<1x128x128xf32, #tpu.memory_space<vmem>> -> memref<128x128xf32, #tpu.memory_space<vmem>>
    %dma_start3A_145 = arith.constant 0 : i32
    %dma_start3A_146 = tpu.memref_slice %arg5[%dma_start3A_139, %dma_start3A_145] : memref<50x128xi32, #tpu.memory_space<vmem>> -> memref<1x128xi32, #tpu.memory_space<vmem>>
    %dma_start3A_147 = tpu.memref_squeeze %dma_start3A_146 : memref<1x128xi32, #tpu.memory_space<vmem>> -> memref<128xi32, #tpu.memory_space<vmem>>
    %dma_start3A_148 = arith.constant 0 : i32
    %dma_start3A_149 = arith.constant 0 : i32
    %dma_start3A_150 = tpu.memref_slice %arg3[%dma_start3A_148, %dma_start3A_149] : memref<100000x128xf32, #tpu.memory_space<hbm>> -> memref<100000x128xf32, #tpu.memory_space<hbm>>
    tpu.enqueue_indirect_dma source(%dma_start3A_150 : memref<100000x128xf32, #tpu.memory_space<hbm>>) target(%dma_start3A_144 : memref<128x128xf32, #tpu.memory_space<vmem>>) offsets(%dma_start3A_147 : memref<128xi32, #tpu.memory_space<vmem>>) semaphore(%arg11 : memref<!tpu.dma_semaphore, #tpu.memory_space<semaphore_mem>>)
    %dma_wait3A_151 = arith.constant 3 : i32
    %dma_wait3A_152 = arith.constant 0 : i32
    %dma_wait3A_153 = arith.constant 0 : i32
    %dma_wait3A_154 = tpu.memref_slice %arg6[%dma_wait3A_151, %dma_wait3A_152, %dma_wait3A_153] : memref<5x128x128xf32, #tpu.memory_space<vmem>> -> memref<1x128x128xf32, #tpu.memory_space<vmem>>
    %dma_wait3A_155 = tpu.memref_squeeze %dma_wait3A_154 : memref<1x128x128xf32, #tpu.memory_space<vmem>> -> memref<128x128xf32, #tpu.memory_space<vmem>>
    %dma_wait3A_156 = arith.constant 0 : i32
    %dma_wait3A_157 = arith.constant 0 : i32
    %dma_wait3A_158 = tpu.memref_slice %arg3[%dma_wait3A_156, %dma_wait3A_157] : memref<100000x128xf32, #tpu.memory_space<hbm>> -> memref<128x128xf32, #tpu.memory_space<hbm>>
    %dma_wait3A_159 = arith.constant 0 : i32
    %dma_wait3A_160 = arith.constant 0 : i32
    %dma_wait3A_161 = tpu.memref_slice %arg6[%dma_wait3A_151, %dma_wait3A_159, %dma_wait3A_160] : memref<5x128x128xf32, #tpu.memory_space<vmem>> -> memref<1x128x128xf32, #tpu.memory_space<vmem>>
    %dma_wait3A_162 = tpu.memref_squeeze %dma_wait3A_161 : memref<1x128x128xf32, #tpu.memory_space<vmem>> -> memref<128x128xf32, #tpu.memory_space<vmem>>
    %dma_wait3A_163 = arith.constant 0 : i32
    %dma_wait3A_164 = arith.constant 0 : i32
    %dma_wait3A_165 = tpu.memref_slice %arg3[%dma_wait3A_163, %dma_wait3A_164] : memref<100000x128xf32, #tpu.memory_space<hbm>> -> memref<128x128xf32, #tpu.memory_space<hbm>>
    tpu.wait_dma2 semaphore(%arg10 : memref<!tpu.dma_semaphore, #tpu.memory_space<semaphore_mem>>) src(%dma_wait3A_165 : memref<128x128xf32, #tpu.memory_space<hbm>>) dst(%dma_wait3A_162 : memref<128x128xf32, #tpu.memory_space<vmem>>)
    %add3A_166 = arith.constant 384 : i32
    %add3A_167 = arith.addi %mul3A_2, %add3A_166 : i32
    %dma_start3A_168 = arith.constant 3 : i32
    %dma_start3A_169 = arith.constant 0 : i32
    %dma_start3A_170 = arith.constant 0 : i32
    %dma_start3A_171 = tpu.memref_slice %arg6[%dma_start3A_168, %dma_start3A_169, %dma_start3A_170] : memref<5x128x128xf32, #tpu.memory_space<vmem>> -> memref<1x128x128xf32, #tpu.memory_space<vmem>>
    %dma_start3A_172 = tpu.memref_squeeze %dma_start3A_171 : memref<1x128x128xf32, #tpu.memory_space<vmem>> -> memref<128x128xf32, #tpu.memory_space<vmem>>
    %dma_start3A_173 = arith.constant 0 : i32
    %dma_start3A_174 = tpu.memref_slice %arg4[%add3A_167, %dma_start3A_173] : memref<204800x128xf32, #tpu.memory_space<hbm>> -> memref<128x128xf32, #tpu.memory_space<hbm>>
    %dma_start3A_175 = arith.constant 0 : i32
    %dma_start3A_176 = tpu.memref_slice %arg4[%add3A_167, %dma_start3A_175] : memref<204800x128xf32, #tpu.memory_space<hbm>> -> memref<128x128xf32, #tpu.memory_space<hbm>>
    %dma_start3A_177 = arith.constant 0 : i32
    %dma_start3A_178 = arith.constant 0 : i32
    %dma_start3A_179 = tpu.memref_slice %arg6[%dma_start3A_168, %dma_start3A_177, %dma_start3A_178] : memref<5x128x128xf32, #tpu.memory_space<vmem>> -> memref<1x128x128xf32, #tpu.memory_space<vmem>>
    %dma_start3A_180 = tpu.memref_squeeze %dma_start3A_179 : memref<1x128x128xf32, #tpu.memory_space<vmem>> -> memref<128x128xf32, #tpu.memory_space<vmem>>
    tpu.enqueue_dma source(%dma_start3A_180 : memref<128x128xf32, #tpu.memory_space<vmem>>) target(%dma_start3A_176 : memref<128x128xf32, #tpu.memory_space<hbm>>) target_semaphore(%arg15 : memref<!tpu.dma_semaphore, #tpu.memory_space<semaphore_mem>>)
    %dma_wait3A_181 = arith.constant 0 : i32
    %dma_wait3A_182 = arith.constant 0 : i32
    %dma_wait3A_183 = arith.constant 0 : i32
    %dma_wait3A_184 = tpu.memref_slice %arg6[%dma_wait3A_181, %dma_wait3A_182, %dma_wait3A_183] : memref<5x128x128xf32, #tpu.memory_space<vmem>> -> memref<1x128x128xf32, #tpu.memory_space<vmem>>
    %dma_wait3A_185 = tpu.memref_squeeze %dma_wait3A_184 : memref<1x128x128xf32, #tpu.memory_space<vmem>> -> memref<128x128xf32, #tpu.memory_space<vmem>>
    %dma_wait3A_186 = arith.constant 0 : i32
    %dma_wait3A_187 = tpu.memref_slice %arg4[%mul3A_2, %dma_wait3A_186] : memref<204800x128xf32, #tpu.memory_space<hbm>> -> memref<128x128xf32, #tpu.memory_space<hbm>>
    %dma_wait3A_188 = arith.constant 0 : i32
    %dma_wait3A_189 = tpu.memref_slice %arg4[%mul3A_2, %dma_wait3A_188] : memref<204800x128xf32, #tpu.memory_space<hbm>> -> memref<128x128xf32, #tpu.memory_space<hbm>>
    %dma_wait3A_190 = arith.constant 0 : i32
    %dma_wait3A_191 = arith.constant 0 : i32
    %dma_wait3A_192 = tpu.memref_slice %arg6[%dma_wait3A_181, %dma_wait3A_190, %dma_wait3A_191] : memref<5x128x128xf32, #tpu.memory_space<vmem>> -> memref<1x128x128xf32, #tpu.memory_space<vmem>>
    %dma_wait3A_193 = tpu.memref_squeeze %dma_wait3A_192 : memref<1x128x128xf32, #tpu.memory_space<vmem>> -> memref<128x128xf32, #tpu.memory_space<vmem>>
    tpu.wait_dma2 semaphore(%arg12 : memref<!tpu.dma_semaphore, #tpu.memory_space<semaphore_mem>>) src(%dma_wait3A_193 : memref<128x128xf32, #tpu.memory_space<vmem>>) dst(%dma_wait3A_189 : memref<128x128xf32, #tpu.memory_space<hbm>>)
    %dma_start3A_194 = arith.constant 5 : i32
    %dma_start3A_195 = arith.constant 0 : i32
    %dma_start3A_196 = arith.constant 0 : i32
    %dma_start3A_197 = arith.constant 0 : i32
    %dma_start3A_198 = tpu.memref_slice %arg6[%dma_start3A_195, %dma_start3A_196, %dma_start3A_197] : memref<5x128x128xf32, #tpu.memory_space<vmem>> -> memref<1x128x128xf32, #tpu.memory_space<vmem>>
    %dma_start3A_199 = tpu.memref_squeeze %dma_start3A_198 : memref<1x128x128xf32, #tpu.memory_space<vmem>> -> memref<128x128xf32, #tpu.memory_space<vmem>>
    %dma_start3A_200 = arith.constant 0 : i32
    %dma_start3A_201 = tpu.memref_slice %arg5[%dma_start3A_194, %dma_start3A_200] : memref<50x128xi32, #tpu.memory_space<vmem>> -> memref<1x128xi32, #tpu.memory_space<vmem>>
    %dma_start3A_202 = tpu.memref_squeeze %dma_start3A_201 : memref<1x128xi32, #tpu.memory_space<vmem>> -> memref<128xi32, #tpu.memory_space<vmem>>
    %dma_start3A_203 = arith.constant 0 : i32
    %dma_start3A_204 = arith.constant 0 : i32
    %dma_start3A_205 = tpu.memref_slice %arg3[%dma_start3A_203, %dma_start3A_204] : memref<100000x128xf32, #tpu.memory_space<hbm>> -> memref<100000x128xf32, #tpu.memory_space<hbm>>
    tpu.enqueue_indirect_dma source(%dma_start3A_205 : memref<100000x128xf32, #tpu.memory_space<hbm>>) target(%dma_start3A_199 : memref<128x128xf32, #tpu.memory_space<vmem>>) offsets(%dma_start3A_202 : memref<128xi32, #tpu.memory_space<vmem>>) semaphore(%arg7 : memref<!tpu.dma_semaphore, #tpu.memory_space<semaphore_mem>>)
    %dma_wait3A_206 = arith.constant 4 : i32
    %dma_wait3A_207 = arith.constant 0 : i32
    %dma_wait3A_208 = arith.constant 0 : i32
    %dma_wait3A_209 = tpu.memref_slice %arg6[%dma_wait3A_206, %dma_wait3A_207, %dma_wait3A_208] : memref<5x128x128xf32, #tpu.memory_space<vmem>> -> memref<1x128x128xf32, #tpu.memory_space<vmem>>
    %dma_wait3A_210 = tpu.memref_squeeze %dma_wait3A_209 : memref<1x128x128xf32, #tpu.memory_space<vmem>> -> memref<128x128xf32, #tpu.memory_space<vmem>>
    %dma_wait3A_211 = arith.constant 0 : i32
    %dma_wait3A_212 = arith.constant 0 : i32
    %dma_wait3A_213 = tpu.memref_slice %arg3[%dma_wait3A_211, %dma_wait3A_212] : memref<100000x128xf32, #tpu.memory_space<hbm>> -> memref<128x128xf32, #tpu.memory_space<hbm>>
    %dma_wait3A_214 = arith.constant 0 : i32
    %dma_wait3A_215 = arith.constant 0 : i32
    %dma_wait3A_216 = tpu.memref_slice %arg6[%dma_wait3A_206, %dma_wait3A_214, %dma_wait3A_215] : memref<5x128x128xf32, #tpu.memory_space<vmem>> -> memref<1x128x128xf32, #tpu.memory_space<vmem>>
    %dma_wait3A_217 = tpu.memref_squeeze %dma_wait3A_216 : memref<1x128x128xf32, #tpu.memory_space<vmem>> -> memref<128x128xf32, #tpu.memory_space<vmem>>
    %dma_wait3A_218 = arith.constant 0 : i32
    %dma_wait3A_219 = arith.constant 0 : i32
    %dma_wait3A_220 = tpu.memref_slice %arg3[%dma_wait3A_218, %dma_wait3A_219] : memref<100000x128xf32, #tpu.memory_space<hbm>> -> memref<128x128xf32, #tpu.memory_space<hbm>>
    tpu.wait_dma2 semaphore(%arg11 : memref<!tpu.dma_semaphore, #tpu.memory_space<semaphore_mem>>) src(%dma_wait3A_220 : memref<128x128xf32, #tpu.memory_space<hbm>>) dst(%dma_wait3A_217 : memref<128x128xf32, #tpu.memory_space<vmem>>)
    %add3A_221 = arith.constant 512 : i32
    %add3A_222 = arith.addi %mul3A_2, %add3A_221 : i32
    %dma_start3A_223 = arith.constant 4 : i32
    %dma_start3A_224 = arith.constant 0 : i32
    %dma_start3A_225 = arith.constant 0 : i32
    %dma_start3A_226 = tpu.memref_slice %arg6[%dma_start3A_223, %dma_start3A_224, %dma_start3A_225] : memref<5x128x128xf32, #tpu.memory_space<vmem>> -> memref<1x128x128xf32, #tpu.memory_space<vmem>>
    %dma_start3A_227 = tpu.memref_squeeze %dma_start3A_226 : memref<1x128x128xf32, #tpu.memory_space<vmem>> -> memref<128x128xf32, #tpu.memory_space<vmem>>
    %dma_start3A_228 = arith.constant 0 : i32
    %dma_start3A_229 = tpu.memref_slice %arg4[%add3A_222, %dma_start3A_228] : memref<204800x128xf32, #tpu.memory_space<hbm>> -> memref<128x128xf32, #tpu.memory_space<hbm>>
    %dma_start3A_230 = arith.constant 0 : i32
    %dma_start3A_231 = tpu.memref_slice %arg4[%add3A_222, %dma_start3A_230] : memref<204800x128xf32, #tpu.memory_space<hbm>> -> memref<128x128xf32, #tpu.memory_space<hbm>>
    %dma_start3A_232 = arith.constant 0 : i32
    %dma_start3A_233 = arith.constant 0 : i32
    %dma_start3A_234 = tpu.memref_slice %arg6[%dma_start3A_223, %dma_start3A_232, %dma_start3A_233] : memref<5x128x128xf32, #tpu.memory_space<vmem>> -> memref<1x128x128xf32, #tpu.memory_space<vmem>>
    %dma_start3A_235 = tpu.memref_squeeze %dma_start3A_234 : memref<1x128x128xf32, #tpu.memory_space<vmem>> -> memref<128x128xf32, #tpu.memory_space<vmem>>
    tpu.enqueue_dma source(%dma_start3A_235 : memref<128x128xf32, #tpu.memory_space<vmem>>) target(%dma_start3A_231 : memref<128x128xf32, #tpu.memory_space<hbm>>) target_semaphore(%arg16 : memref<!tpu.dma_semaphore, #tpu.memory_space<semaphore_mem>>)
    %dma_wait3A_236 = arith.constant 1 : i32
    %dma_wait3A_237 = arith.constant 0 : i32
    %dma_wait3A_238 = arith.constant 0 : i32
    %dma_wait3A_239 = tpu.memref_slice %arg6[%dma_wait3A_236, %dma_wait3A_237, %dma_wait3A_238] : memref<5x128x128xf32, #tpu.memory_space<vmem>> -> memref<1x128x128xf32, #tpu.memory_space<vmem>>
    %dma_wait3A_240 = tpu.memref_squeeze %dma_wait3A_239 : memref<1x128x128xf32, #tpu.memory_space<vmem>> -> memref<128x128xf32, #tpu.memory_space<vmem>>
    %dma_wait3A_241 = arith.constant 0 : i32
    %dma_wait3A_242 = tpu.memref_slice %arg4[%mul3A_2, %dma_wait3A_241] : memref<204800x128xf32, #tpu.memory_space<hbm>> -> memref<128x128xf32, #tpu.memory_space<hbm>>
    %dma_wait3A_243 = arith.constant 0 : i32
    %dma_wait3A_244 = tpu.memref_slice %arg4[%mul3A_2, %dma_wait3A_243] : memref<204800x128xf32, #tpu.memory_space<hbm>> -> memref<128x128xf32, #tpu.memory_space<hbm>>
    %dma_wait3A_245 = arith.constant 0 : i32
    %dma_wait3A_246 = arith.constant 0 : i32
    %dma_wait3A_247 = tpu.memref_slice %arg6[%dma_wait3A_236, %dma_wait3A_245, %dma_wait3A_246] : memref<5x128x128xf32, #tpu.memory_space<vmem>> -> memref<1x128x128xf32, #tpu.memory_space<vmem>>
    %dma_wait3A_248 = tpu.memref_squeeze %dma_wait3A_247 : memref<1x128x128xf32, #tpu.memory_space<vmem>> -> memref<128x128xf32, #tpu.memory_space<vmem>>
    tpu.wait_dma2 semaphore(%arg13 : memref<!tpu.dma_semaphore, #tpu.memory_space<semaphore_mem>>) src(%dma_wait3A_248 : memref<128x128xf32, #tpu.memory_space<vmem>>) dst(%dma_wait3A_244 : memref<128x128xf32, #tpu.memory_space<hbm>>)
    %dma_start3A_249 = arith.constant 6 : i32
    %dma_start3A_250 = arith.constant 1 : i32
    %dma_start3A_251 = arith.constant 0 : i32
    %dma_start3A_252 = arith.constant 0 : i32
    %dma_start3A_253 = tpu.memref_slice %arg6[%dma_start3A_250, %dma_start3A_251, %dma_start3A_252] : memref<5x128x128xf32, #tpu.memory_space<vmem>> -> memref<1x128x128xf32, #tpu.memory_space<vmem>>
    %dma_start3A_254 = tpu.memref_squeeze %dma_start3A_253 : memref<1x128x128xf32, #tpu.memory_space<vmem>> -> memref<128x128xf32, #tpu.memory_space<vmem>>
    %dma_start3A_255 = arith.constant 0 : i32
    %dma_start3A_256 = tpu.memref_slice %arg5[%dma_start3A_249, %dma_start3A_255] : memref<50x128xi32, #tpu.memory_space<vmem>> -> memref<1x128xi32, #tpu.memory_space<vmem>>
    %dma_start3A_257 = tpu.memref_squeeze %dma_start3A_256 : memref<1x128xi32, #tpu.memory_space<vmem>> -> memref<128xi32, #tpu.memory_space<vmem>>
    %dma_start3A_258 = arith.constant 0 : i32
    %dma_start3A_259 = arith.constant 0 : i32
    %dma_start3A_260 = tpu.memref_slice %arg3[%dma_start3A_258, %dma_start3A_259] : memref<100000x128xf32, #tpu.memory_space<hbm>> -> memref<100000x128xf32, #tpu.memory_space<hbm>>
    tpu.enqueue_indirect_dma source(%dma_start3A_260 : memref<100000x128xf32, #tpu.memory_space<hbm>>) target(%dma_start3A_254 : memref<128x128xf32, #tpu.memory_space<vmem>>) offsets(%dma_start3A_257 : memref<128xi32, #tpu.memory_space<vmem>>) semaphore(%arg8 : memref<!tpu.dma_semaphore, #tpu.memory_space<semaphore_mem>>)
    %scan3A = arith.constant 0 : i32
    %scan3A_261 = arith.constant 8 : i32
    %scan3A_262 = arith.addi %scan3A, %scan3A_261 : i32
    %scan3A_263 = arith.constant 1 : i32
    scf.for %scan3A_555 = %scan3A to %scan3A_262 step %scan3A_263  : i32 {
      %mul3A_556 = arith.constant 1 : i32
      %mul3A_557 = arith.muli %scan3A_555, %mul3A_556 : i32
      %add3A_558 = arith.constant 1 : i32
      %add3A_559 = arith.addi %add3A_558, %mul3A_557 : i32
      %mul3A_560 = arith.constant 5 : i32
      %mul3A_561 = arith.muli %add3A_559, %mul3A_560 : i32
      %add3A_562 = arith.constant 0 : i32
      %add3A_563 = arith.addi %mul3A_561, %add3A_562 : i32
      %dma_wait3A_564 = arith.constant 0 : i32
      %dma_wait3A_565 = arith.constant 0 : i32
      %dma_wait3A_566 = arith.constant 0 : i32
      %dma_wait3A_567 = tpu.memref_slice %arg6[%dma_wait3A_564, %dma_wait3A_565, %dma_wait3A_566] : memref<5x128x128xf32, #tpu.memory_space<vmem>> -> memref<1x128x128xf32, #tpu.memory_space<vmem>>
      %dma_wait3A_568 = tpu.memref_squeeze %dma_wait3A_567 : memref<1x128x128xf32, #tpu.memory_space<vmem>> -> memref<128x128xf32, #tpu.memory_space<vmem>>
      %dma_wait3A_569 = arith.constant 0 : i32
      %dma_wait3A_570 = arith.constant 0 : i32
      %dma_wait3A_571 = tpu.memref_slice %arg3[%dma_wait3A_569, %dma_wait3A_570] : memref<100000x128xf32, #tpu.memory_space<hbm>> -> memref<128x128xf32, #tpu.memory_space<hbm>>
      %dma_wait3A_572 = arith.constant 0 : i32
      %dma_wait3A_573 = arith.constant 0 : i32
      %dma_wait3A_574 = tpu.memref_slice %arg6[%dma_wait3A_564, %dma_wait3A_572, %dma_wait3A_573] : memref<5x128x128xf32, #tpu.memory_space<vmem>> -> memref<1x128x128xf32, #tpu.memory_space<vmem>>
      %dma_wait3A_575 = tpu.memref_squeeze %dma_wait3A_574 : memref<1x128x128xf32, #tpu.memory_space<vmem>> -> memref<128x128xf32, #tpu.memory_space<vmem>>
      %dma_wait3A_576 = arith.constant 0 : i32
      %dma_wait3A_577 = arith.constant 0 : i32
      %dma_wait3A_578 = tpu.memref_slice %arg3[%dma_wait3A_576, %dma_wait3A_577] : memref<100000x128xf32, #tpu.memory_space<hbm>> -> memref<128x128xf32, #tpu.memory_space<hbm>>
      tpu.wait_dma2 semaphore(%arg7 : memref<!tpu.dma_semaphore, #tpu.memory_space<semaphore_mem>>) src(%dma_wait3A_578 : memref<128x128xf32, #tpu.memory_space<hbm>>) dst(%dma_wait3A_575 : memref<128x128xf32, #tpu.memory_space<vmem>>)
      %mul3A_579 = arith.constant 128 : i32
      %mul3A_580 = arith.muli %add3A_563, %mul3A_579 : i32
      %add3A_581 = arith.addi %mul3A_2, %mul3A_580 : i32
      %dma_start3A_582 = arith.constant 0 : i32
      %dma_start3A_583 = arith.constant 0 : i32
      %dma_start3A_584 = arith.constant 0 : i32
      %dma_start3A_585 = tpu.memref_slice %arg6[%dma_start3A_582, %dma_start3A_583, %dma_start3A_584] : memref<5x128x128xf32, #tpu.memory_space<vmem>> -> memref<1x128x128xf32, #tpu.memory_space<vmem>>
      %dma_start3A_586 = tpu.memref_squeeze %dma_start3A_585 : memref<1x128x128xf32, #tpu.memory_space<vmem>> -> memref<128x128xf32, #tpu.memory_space<vmem>>
      %dma_start3A_587 = arith.constant 0 : i32
      %dma_start3A_588 = tpu.memref_slice %arg4[%add3A_581, %dma_start3A_587] : memref<204800x128xf32, #tpu.memory_space<hbm>> -> memref<128x128xf32, #tpu.memory_space<hbm>>
      %dma_start3A_589 = arith.constant 0 : i32
      %dma_start3A_590 = tpu.memref_slice %arg4[%add3A_581, %dma_start3A_589] : memref<204800x128xf32, #tpu.memory_space<hbm>> -> memref<128x128xf32, #tpu.memory_space<hbm>>
      %dma_start3A_591 = arith.constant 0 : i32
      %dma_start3A_592 = arith.constant 0 : i32
      %dma_start3A_593 = tpu.memref_slice %arg6[%dma_start3A_582, %dma_start3A_591, %dma_start3A_592] : memref<5x128x128xf32, #tpu.memory_space<vmem>> -> memref<1x128x128xf32, #tpu.memory_space<vmem>>
      %dma_start3A_594 = tpu.memref_squeeze %dma_start3A_593 : memref<1x128x128xf32, #tpu.memory_space<vmem>> -> memref<128x128xf32, #tpu.memory_space<vmem>>
      tpu.enqueue_dma source(%dma_start3A_594 : memref<128x128xf32, #tpu.memory_space<vmem>>) target(%dma_start3A_590 : memref<128x128xf32, #tpu.memory_space<hbm>>) target_semaphore(%arg12 : memref<!tpu.dma_semaphore, #tpu.memory_space<semaphore_mem>>)
      %dma_wait3A_595 = arith.constant 2 : i32
      %dma_wait3A_596 = arith.constant 0 : i32
      %dma_wait3A_597 = arith.constant 0 : i32
      %dma_wait3A_598 = tpu.memref_slice %arg6[%dma_wait3A_595, %dma_wait3A_596, %dma_wait3A_597] : memref<5x128x128xf32, #tpu.memory_space<vmem>> -> memref<1x128x128xf32, #tpu.memory_space<vmem>>
      %dma_wait3A_599 = tpu.memref_squeeze %dma_wait3A_598 : memref<1x128x128xf32, #tpu.memory_space<vmem>> -> memref<128x128xf32, #tpu.memory_space<vmem>>
      %dma_wait3A_600 = arith.constant 0 : i32
      %dma_wait3A_601 = tpu.memref_slice %arg4[%mul3A_2, %dma_wait3A_600] : memref<204800x128xf32, #tpu.memory_space<hbm>> -> memref<128x128xf32, #tpu.memory_space<hbm>>
      %dma_wait3A_602 = arith.constant 0 : i32
      %dma_wait3A_603 = tpu.memref_slice %arg4[%mul3A_2, %dma_wait3A_602] : memref<204800x128xf32, #tpu.memory_space<hbm>> -> memref<128x128xf32, #tpu.memory_space<hbm>>
      %dma_wait3A_604 = arith.constant 0 : i32
      %dma_wait3A_605 = arith.constant 0 : i32
      %dma_wait3A_606 = tpu.memref_slice %arg6[%dma_wait3A_595, %dma_wait3A_604, %dma_wait3A_605] : memref<5x128x128xf32, #tpu.memory_space<vmem>> -> memref<1x128x128xf32, #tpu.memory_space<vmem>>
      %dma_wait3A_607 = tpu.memref_squeeze %dma_wait3A_606 : memref<1x128x128xf32, #tpu.memory_space<vmem>> -> memref<128x128xf32, #tpu.memory_space<vmem>>
      tpu.wait_dma2 semaphore(%arg14 : memref<!tpu.dma_semaphore, #tpu.memory_space<semaphore_mem>>) src(%dma_wait3A_607 : memref<128x128xf32, #tpu.memory_space<vmem>>) dst(%dma_wait3A_603 : memref<128x128xf32, #tpu.memory_space<hbm>>)
      %add3A_608 = arith.constant 2 : i32
      %add3A_609 = arith.addi %add3A_563, %add3A_608 : i32
      %dma_start3A_610 = arith.constant 2 : i32
      %dma_start3A_611 = arith.constant 0 : i32
      %dma_start3A_612 = arith.constant 0 : i32
      %dma_start3A_613 = tpu.memref_slice %arg6[%dma_start3A_610, %dma_start3A_611, %dma_start3A_612] : memref<5x128x128xf32, #tpu.memory_space<vmem>> -> memref<1x128x128xf32, #tpu.memory_space<vmem>>
      %dma_start3A_614 = tpu.memref_squeeze %dma_start3A_613 : memref<1x128x128xf32, #tpu.memory_space<vmem>> -> memref<128x128xf32, #tpu.memory_space<vmem>>
      %dma_start3A_615 = arith.constant 0 : i32
      %dma_start3A_616 = tpu.memref_slice %arg5[%add3A_609, %dma_start3A_615] : memref<50x128xi32, #tpu.memory_space<vmem>> -> memref<1x128xi32, #tpu.memory_space<vmem>>
      %dma_start3A_617 = tpu.memref_squeeze %dma_start3A_616 : memref<1x128xi32, #tpu.memory_space<vmem>> -> memref<128xi32, #tpu.memory_space<vmem>>
      %dma_start3A_618 = arith.constant 0 : i32
      %dma_start3A_619 = arith.constant 0 : i32
      %dma_start3A_620 = tpu.memref_slice %arg3[%dma_start3A_618, %dma_start3A_619] : memref<100000x128xf32, #tpu.memory_space<hbm>> -> memref<100000x128xf32, #tpu.memory_space<hbm>>
      tpu.enqueue_indirect_dma source(%dma_start3A_620 : memref<100000x128xf32, #tpu.memory_space<hbm>>) target(%dma_start3A_614 : memref<128x128xf32, #tpu.memory_space<vmem>>) offsets(%dma_start3A_617 : memref<128xi32, #tpu.memory_space<vmem>>) semaphore(%arg9 : memref<!tpu.dma_semaphore, #tpu.memory_space<semaphore_mem>>)
      %add3A_621 = arith.constant 1 : i32
      %add3A_622 = arith.addi %mul3A_561, %add3A_621 : i32
      %dma_wait3A_623 = arith.constant 1 : i32
      %dma_wait3A_624 = arith.constant 0 : i32
      %dma_wait3A_625 = arith.constant 0 : i32
      %dma_wait3A_626 = tpu.memref_slice %arg6[%dma_wait3A_623, %dma_wait3A_624, %dma_wait3A_625] : memref<5x128x128xf32, #tpu.memory_space<vmem>> -> memref<1x128x128xf32, #tpu.memory_space<vmem>>
      %dma_wait3A_627 = tpu.memref_squeeze %dma_wait3A_626 : memref<1x128x128xf32, #tpu.memory_space<vmem>> -> memref<128x128xf32, #tpu.memory_space<vmem>>
      %dma_wait3A_628 = arith.constant 0 : i32
      %dma_wait3A_629 = arith.constant 0 : i32
      %dma_wait3A_630 = tpu.memref_slice %arg3[%dma_wait3A_628, %dma_wait3A_629] : memref<100000x128xf32, #tpu.memory_space<hbm>> -> memref<128x128xf32, #tpu.memory_space<hbm>>
      %dma_wait3A_631 = arith.constant 0 : i32
      %dma_wait3A_632 = arith.constant 0 : i32
      %dma_wait3A_633 = tpu.memref_slice %arg6[%dma_wait3A_623, %dma_wait3A_631, %dma_wait3A_632] : memref<5x128x128xf32, #tpu.memory_space<vmem>> -> memref<1x128x128xf32, #tpu.memory_space<vmem>>
      %dma_wait3A_634 = tpu.memref_squeeze %dma_wait3A_633 : memref<1x128x128xf32, #tpu.memory_space<vmem>> -> memref<128x128xf32, #tpu.memory_space<vmem>>
      %dma_wait3A_635 = arith.constant 0 : i32
      %dma_wait3A_636 = arith.constant 0 : i32
      %dma_wait3A_637 = tpu.memref_slice %arg3[%dma_wait3A_635, %dma_wait3A_636] : memref<100000x128xf32, #tpu.memory_space<hbm>> -> memref<128x128xf32, #tpu.memory_space<hbm>>
      tpu.wait_dma2 semaphore(%arg8 : memref<!tpu.dma_semaphore, #tpu.memory_space<semaphore_mem>>) src(%dma_wait3A_637 : memref<128x128xf32, #tpu.memory_space<hbm>>) dst(%dma_wait3A_634 : memref<128x128xf32, #tpu.memory_space<vmem>>)
      %mul3A_638 = arith.constant 128 : i32
      %mul3A_639 = arith.muli %add3A_622, %mul3A_638 : i32
      %add3A_640 = arith.addi %mul3A_2, %mul3A_639 : i32
      %dma_start3A_641 = arith.constant 1 : i32
      %dma_start3A_642 = arith.constant 0 : i32
      %dma_start3A_643 = arith.constant 0 : i32
      %dma_start3A_644 = tpu.memref_slice %arg6[%dma_start3A_641, %dma_start3A_642, %dma_start3A_643] : memref<5x128x128xf32, #tpu.memory_space<vmem>> -> memref<1x128x128xf32, #tpu.memory_space<vmem>>
      %dma_start3A_645 = tpu.memref_squeeze %dma_start3A_644 : memref<1x128x128xf32, #tpu.memory_space<vmem>> -> memref<128x128xf32, #tpu.memory_space<vmem>>
      %dma_start3A_646 = arith.constant 0 : i32
      %dma_start3A_647 = tpu.memref_slice %arg4[%add3A_640, %dma_start3A_646] : memref<204800x128xf32, #tpu.memory_space<hbm>> -> memref<128x128xf32, #tpu.memory_space<hbm>>
      %dma_start3A_648 = arith.constant 0 : i32
      %dma_start3A_649 = tpu.memref_slice %arg4[%add3A_640, %dma_start3A_648] : memref<204800x128xf32, #tpu.memory_space<hbm>> -> memref<128x128xf32, #tpu.memory_space<hbm>>
      %dma_start3A_650 = arith.constant 0 : i32
      %dma_start3A_651 = arith.constant 0 : i32
      %dma_start3A_652 = tpu.memref_slice %arg6[%dma_start3A_641, %dma_start3A_650, %dma_start3A_651] : memref<5x128x128xf32, #tpu.memory_space<vmem>> -> memref<1x128x128xf32, #tpu.memory_space<vmem>>
      %dma_start3A_653 = tpu.memref_squeeze %dma_start3A_652 : memref<1x128x128xf32, #tpu.memory_space<vmem>> -> memref<128x128xf32, #tpu.memory_space<vmem>>
      tpu.enqueue_dma source(%dma_start3A_653 : memref<128x128xf32, #tpu.memory_space<vmem>>) target(%dma_start3A_649 : memref<128x128xf32, #tpu.memory_space<hbm>>) target_semaphore(%arg13 : memref<!tpu.dma_semaphore, #tpu.memory_space<semaphore_mem>>)
      %dma_wait3A_654 = arith.constant 3 : i32
      %dma_wait3A_655 = arith.constant 0 : i32
      %dma_wait3A_656 = arith.constant 0 : i32
      %dma_wait3A_657 = tpu.memref_slice %arg6[%dma_wait3A_654, %dma_wait3A_655, %dma_wait3A_656] : memref<5x128x128xf32, #tpu.memory_space<vmem>> -> memref<1x128x128xf32, #tpu.memory_space<vmem>>
      %dma_wait3A_658 = tpu.memref_squeeze %dma_wait3A_657 : memref<1x128x128xf32, #tpu.memory_space<vmem>> -> memref<128x128xf32, #tpu.memory_space<vmem>>
      %dma_wait3A_659 = arith.constant 0 : i32
      %dma_wait3A_660 = tpu.memref_slice %arg4[%mul3A_2, %dma_wait3A_659] : memref<204800x128xf32, #tpu.memory_space<hbm>> -> memref<128x128xf32, #tpu.memory_space<hbm>>
      %dma_wait3A_661 = arith.constant 0 : i32
      %dma_wait3A_662 = tpu.memref_slice %arg4[%mul3A_2, %dma_wait3A_661] : memref<204800x128xf32, #tpu.memory_space<hbm>> -> memref<128x128xf32, #tpu.memory_space<hbm>>
      %dma_wait3A_663 = arith.constant 0 : i32
      %dma_wait3A_664 = arith.constant 0 : i32
      %dma_wait3A_665 = tpu.memref_slice %arg6[%dma_wait3A_654, %dma_wait3A_663, %dma_wait3A_664] : memref<5x128x128xf32, #tpu.memory_space<vmem>> -> memref<1x128x128xf32, #tpu.memory_space<vmem>>
      %dma_wait3A_666 = tpu.memref_squeeze %dma_wait3A_665 : memref<1x128x128xf32, #tpu.memory_space<vmem>> -> memref<128x128xf32, #tpu.memory_space<vmem>>
      tpu.wait_dma2 semaphore(%arg15 : memref<!tpu.dma_semaphore, #tpu.memory_space<semaphore_mem>>) src(%dma_wait3A_666 : memref<128x128xf32, #tpu.memory_space<vmem>>) dst(%dma_wait3A_662 : memref<128x128xf32, #tpu.memory_space<hbm>>)
      %add3A_667 = arith.constant 2 : i32
      %add3A_668 = arith.addi %add3A_622, %add3A_667 : i32
      %dma_start3A_669 = arith.constant 3 : i32
      %dma_start3A_670 = arith.constant 0 : i32
      %dma_start3A_671 = arith.constant 0 : i32
      %dma_start3A_672 = tpu.memref_slice %arg6[%dma_start3A_669, %dma_start3A_670, %dma_start3A_671] : memref<5x128x128xf32, #tpu.memory_space<vmem>> -> memref<1x128x128xf32, #tpu.memory_space<vmem>>
      %dma_start3A_673 = tpu.memref_squeeze %dma_start3A_672 : memref<1x128x128xf32, #tpu.memory_space<vmem>> -> memref<128x128xf32, #tpu.memory_space<vmem>>
      %dma_start3A_674 = arith.constant 0 : i32
      %dma_start3A_675 = tpu.memref_slice %arg5[%add3A_668, %dma_start3A_674] : memref<50x128xi32, #tpu.memory_space<vmem>> -> memref<1x128xi32, #tpu.memory_space<vmem>>
      %dma_start3A_676 = tpu.memref_squeeze %dma_start3A_675 : memref<1x128xi32, #tpu.memory_space<vmem>> -> memref<128xi32, #tpu.memory_space<vmem>>
      %dma_start3A_677 = arith.constant 0 : i32
      %dma_start3A_678 = arith.constant 0 : i32
      %dma_start3A_679 = tpu.memref_slice %arg3[%dma_start3A_677, %dma_start3A_678] : memref<100000x128xf32, #tpu.memory_space<hbm>> -> memref<100000x128xf32, #tpu.memory_space<hbm>>
      tpu.enqueue_indirect_dma source(%dma_start3A_679 : memref<100000x128xf32, #tpu.memory_space<hbm>>) target(%dma_start3A_673 : memref<128x128xf32, #tpu.memory_space<vmem>>) offsets(%dma_start3A_676 : memref<128xi32, #tpu.memory_space<vmem>>) semaphore(%arg10 : memref<!tpu.dma_semaphore, #tpu.memory_space<semaphore_mem>>)
      %add3A_680 = arith.constant 2 : i32
      %add3A_681 = arith.addi %mul3A_561, %add3A_680 : i32
      %dma_wait3A_682 = arith.constant 2 : i32
      %dma_wait3A_683 = arith.constant 0 : i32
      %dma_wait3A_684 = arith.constant 0 : i32
      %dma_wait3A_685 = tpu.memref_slice %arg6[%dma_wait3A_682, %dma_wait3A_683, %dma_wait3A_684] : memref<5x128x128xf32, #tpu.memory_space<vmem>> -> memref<1x128x128xf32, #tpu.memory_space<vmem>>
      %dma_wait3A_686 = tpu.memref_squeeze %dma_wait3A_685 : memref<1x128x128xf32, #tpu.memory_space<vmem>> -> memref<128x128xf32, #tpu.memory_space<vmem>>
      %dma_wait3A_687 = arith.constant 0 : i32
      %dma_wait3A_688 = arith.constant 0 : i32
      %dma_wait3A_689 = tpu.memref_slice %arg3[%dma_wait3A_687, %dma_wait3A_688] : memref<100000x128xf32, #tpu.memory_space<hbm>> -> memref<128x128xf32, #tpu.memory_space<hbm>>
      %dma_wait3A_690 = arith.constant 0 : i32
      %dma_wait3A_691 = arith.constant 0 : i32
      %dma_wait3A_692 = tpu.memref_slice %arg6[%dma_wait3A_682, %dma_wait3A_690, %dma_wait3A_691] : memref<5x128x128xf32, #tpu.memory_space<vmem>> -> memref<1x128x128xf32, #tpu.memory_space<vmem>>
      %dma_wait3A_693 = tpu.memref_squeeze %dma_wait3A_692 : memref<1x128x128xf32, #tpu.memory_space<vmem>> -> memref<128x128xf32, #tpu.memory_space<vmem>>
      %dma_wait3A_694 = arith.constant 0 : i32
      %dma_wait3A_695 = arith.constant 0 : i32
      %dma_wait3A_696 = tpu.memref_slice %arg3[%dma_wait3A_694, %dma_wait3A_695] : memref<100000x128xf32, #tpu.memory_space<hbm>> -> memref<128x128xf32, #tpu.memory_space<hbm>>
      tpu.wait_dma2 semaphore(%arg9 : memref<!tpu.dma_semaphore, #tpu.memory_space<semaphore_mem>>) src(%dma_wait3A_696 : memref<128x128xf32, #tpu.memory_space<hbm>>) dst(%dma_wait3A_693 : memref<128x128xf32, #tpu.memory_space<vmem>>)
      %mul3A_697 = arith.constant 128 : i32
      %mul3A_698 = arith.muli %add3A_681, %mul3A_697 : i32
      %add3A_699 = arith.addi %mul3A_2, %mul3A_698 : i32
      %dma_start3A_700 = arith.constant 2 : i32
      %dma_start3A_701 = arith.constant 0 : i32
      %dma_start3A_702 = arith.constant 0 : i32
      %dma_start3A_703 = tpu.memref_slice %arg6[%dma_start3A_700, %dma_start3A_701, %dma_start3A_702] : memref<5x128x128xf32, #tpu.memory_space<vmem>> -> memref<1x128x128xf32, #tpu.memory_space<vmem>>
      %dma_start3A_704 = tpu.memref_squeeze %dma_start3A_703 : memref<1x128x128xf32, #tpu.memory_space<vmem>> -> memref<128x128xf32, #tpu.memory_space<vmem>>
      %dma_start3A_705 = arith.constant 0 : i32
      %dma_start3A_706 = tpu.memref_slice %arg4[%add3A_699, %dma_start3A_705] : memref<204800x128xf32, #tpu.memory_space<hbm>> -> memref<128x128xf32, #tpu.memory_space<hbm>>
      %dma_start3A_707 = arith.constant 0 : i32
      %dma_start3A_708 = tpu.memref_slice %arg4[%add3A_699, %dma_start3A_707] : memref<204800x128xf32, #tpu.memory_space<hbm>> -> memref<128x128xf32, #tpu.memory_space<hbm>>
      %dma_start3A_709 = arith.constant 0 : i32
      %dma_start3A_710 = arith.constant 0 : i32
      %dma_start3A_711 = tpu.memref_slice %arg6[%dma_start3A_700, %dma_start3A_709, %dma_start3A_710] : memref<5x128x128xf32, #tpu.memory_space<vmem>> -> memref<1x128x128xf32, #tpu.memory_space<vmem>>
      %dma_start3A_712 = tpu.memref_squeeze %dma_start3A_711 : memref<1x128x128xf32, #tpu.memory_space<vmem>> -> memref<128x128xf32, #tpu.memory_space<vmem>>
      tpu.enqueue_dma source(%dma_start3A_712 : memref<128x128xf32, #tpu.memory_space<vmem>>) target(%dma_start3A_708 : memref<128x128xf32, #tpu.memory_space<hbm>>) target_semaphore(%arg14 : memref<!tpu.dma_semaphore, #tpu.memory_space<semaphore_mem>>)
      %dma_wait3A_713 = arith.constant 4 : i32
      %dma_wait3A_714 = arith.constant 0 : i32
      %dma_wait3A_715 = arith.constant 0 : i32
      %dma_wait3A_716 = tpu.memref_slice %arg6[%dma_wait3A_713, %dma_wait3A_714, %dma_wait3A_715] : memref<5x128x128xf32, #tpu.memory_space<vmem>> -> memref<1x128x128xf32, #tpu.memory_space<vmem>>
      %dma_wait3A_717 = tpu.memref_squeeze %dma_wait3A_716 : memref<1x128x128xf32, #tpu.memory_space<vmem>> -> memref<128x128xf32, #tpu.memory_space<vmem>>
      %dma_wait3A_718 = arith.constant 0 : i32
      %dma_wait3A_719 = tpu.memref_slice %arg4[%mul3A_2, %dma_wait3A_718] : memref<204800x128xf32, #tpu.memory_space<hbm>> -> memref<128x128xf32, #tpu.memory_space<hbm>>
      %dma_wait3A_720 = arith.constant 0 : i32
      %dma_wait3A_721 = tpu.memref_slice %arg4[%mul3A_2, %dma_wait3A_720] : memref<204800x128xf32, #tpu.memory_space<hbm>> -> memref<128x128xf32, #tpu.memory_space<hbm>>
      %dma_wait3A_722 = arith.constant 0 : i32
      %dma_wait3A_723 = arith.constant 0 : i32
      %dma_wait3A_724 = tpu.memref_slice %arg6[%dma_wait3A_713, %dma_wait3A_722, %dma_wait3A_723] : memref<5x128x128xf32, #tpu.memory_space<vmem>> -> memref<1x128x128xf32, #tpu.memory_space<vmem>>
      %dma_wait3A_725 = tpu.memref_squeeze %dma_wait3A_724 : memref<1x128x128xf32, #tpu.memory_space<vmem>> -> memref<128x128xf32, #tpu.memory_space<vmem>>
      tpu.wait_dma2 semaphore(%arg16 : memref<!tpu.dma_semaphore, #tpu.memory_space<semaphore_mem>>) src(%dma_wait3A_725 : memref<128x128xf32, #tpu.memory_space<vmem>>) dst(%dma_wait3A_721 : memref<128x128xf32, #tpu.memory_space<hbm>>)
      %add3A_726 = arith.constant 2 : i32
      %add3A_727 = arith.addi %add3A_681, %add3A_726 : i32
      %dma_start3A_728 = arith.constant 4 : i32
      %dma_start3A_729 = arith.constant 0 : i32
      %dma_start3A_730 = arith.constant 0 : i32
      %dma_start3A_731 = tpu.memref_slice %arg6[%dma_start3A_728, %dma_start3A_729, %dma_start3A_730] : memref<5x128x128xf32, #tpu.memory_space<vmem>> -> memref<1x128x128xf32, #tpu.memory_space<vmem>>
      %dma_start3A_732 = tpu.memref_squeeze %dma_start3A_731 : memref<1x128x128xf32, #tpu.memory_space<vmem>> -> memref<128x128xf32, #tpu.memory_space<vmem>>
      %dma_start3A_733 = arith.constant 0 : i32
      %dma_start3A_734 = tpu.memref_slice %arg5[%add3A_727, %dma_start3A_733] : memref<50x128xi32, #tpu.memory_space<vmem>> -> memref<1x128xi32, #tpu.memory_space<vmem>>
      %dma_start3A_735 = tpu.memref_squeeze %dma_start3A_734 : memref<1x128xi32, #tpu.memory_space<vmem>> -> memref<128xi32, #tpu.memory_space<vmem>>
      %dma_start3A_736 = arith.constant 0 : i32
      %dma_start3A_737 = arith.constant 0 : i32
      %dma_start3A_738 = tpu.memref_slice %arg3[%dma_start3A_736, %dma_start3A_737] : memref<100000x128xf32, #tpu.memory_space<hbm>> -> memref<100000x128xf32, #tpu.memory_space<hbm>>
      tpu.enqueue_indirect_dma source(%dma_start3A_738 : memref<100000x128xf32, #tpu.memory_space<hbm>>) target(%dma_start3A_732 : memref<128x128xf32, #tpu.memory_space<vmem>>) offsets(%dma_start3A_735 : memref<128xi32, #tpu.memory_space<vmem>>) semaphore(%arg11 : memref<!tpu.dma_semaphore, #tpu.memory_space<semaphore_mem>>)
      %add3A_739 = arith.constant 3 : i32
      %add3A_740 = arith.addi %mul3A_561, %add3A_739 : i32
      %dma_wait3A_741 = arith.constant 3 : i32
      %dma_wait3A_742 = arith.constant 0 : i32
      %dma_wait3A_743 = arith.constant 0 : i32
      %dma_wait3A_744 = tpu.memref_slice %arg6[%dma_wait3A_741, %dma_wait3A_742, %dma_wait3A_743] : memref<5x128x128xf32, #tpu.memory_space<vmem>> -> memref<1x128x128xf32, #tpu.memory_space<vmem>>
      %dma_wait3A_745 = tpu.memref_squeeze %dma_wait3A_744 : memref<1x128x128xf32, #tpu.memory_space<vmem>> -> memref<128x128xf32, #tpu.memory_space<vmem>>
      %dma_wait3A_746 = arith.constant 0 : i32
      %dma_wait3A_747 = arith.constant 0 : i32
      %dma_wait3A_748 = tpu.memref_slice %arg3[%dma_wait3A_746, %dma_wait3A_747] : memref<100000x128xf32, #tpu.memory_space<hbm>> -> memref<128x128xf32, #tpu.memory_space<hbm>>
      %dma_wait3A_749 = arith.constant 0 : i32
      %dma_wait3A_750 = arith.constant 0 : i32
      %dma_wait3A_751 = tpu.memref_slice %arg6[%dma_wait3A_741, %dma_wait3A_749, %dma_wait3A_750] : memref<5x128x128xf32, #tpu.memory_space<vmem>> -> memref<1x128x128xf32, #tpu.memory_space<vmem>>
      %dma_wait3A_752 = tpu.memref_squeeze %dma_wait3A_751 : memref<1x128x128xf32, #tpu.memory_space<vmem>> -> memref<128x128xf32, #tpu.memory_space<vmem>>
      %dma_wait3A_753 = arith.constant 0 : i32
      %dma_wait3A_754 = arith.constant 0 : i32
      %dma_wait3A_755 = tpu.memref_slice %arg3[%dma_wait3A_753, %dma_wait3A_754] : memref<100000x128xf32, #tpu.memory_space<hbm>> -> memref<128x128xf32, #tpu.memory_space<hbm>>
      tpu.wait_dma2 semaphore(%arg10 : memref<!tpu.dma_semaphore, #tpu.memory_space<semaphore_mem>>) src(%dma_wait3A_755 : memref<128x128xf32, #tpu.memory_space<hbm>>) dst(%dma_wait3A_752 : memref<128x128xf32, #tpu.memory_space<vmem>>)
      %mul3A_756 = arith.constant 128 : i32
      %mul3A_757 = arith.muli %add3A_740, %mul3A_756 : i32
      %add3A_758 = arith.addi %mul3A_2, %mul3A_757 : i32
      %dma_start3A_759 = arith.constant 3 : i32
      %dma_start3A_760 = arith.constant 0 : i32
      %dma_start3A_761 = arith.constant 0 : i32
      %dma_start3A_762 = tpu.memref_slice %arg6[%dma_start3A_759, %dma_start3A_760, %dma_start3A_761] : memref<5x128x128xf32, #tpu.memory_space<vmem>> -> memref<1x128x128xf32, #tpu.memory_space<vmem>>
      %dma_start3A_763 = tpu.memref_squeeze %dma_start3A_762 : memref<1x128x128xf32, #tpu.memory_space<vmem>> -> memref<128x128xf32, #tpu.memory_space<vmem>>
      %dma_start3A_764 = arith.constant 0 : i32
      %dma_start3A_765 = tpu.memref_slice %arg4[%add3A_758, %dma_start3A_764] : memref<204800x128xf32, #tpu.memory_space<hbm>> -> memref<128x128xf32, #tpu.memory_space<hbm>>
      %dma_start3A_766 = arith.constant 0 : i32
      %dma_start3A_767 = tpu.memref_slice %arg4[%add3A_758, %dma_start3A_766] : memref<204800x128xf32, #tpu.memory_space<hbm>> -> memref<128x128xf32, #tpu.memory_space<hbm>>
      %dma_start3A_768 = arith.constant 0 : i32
      %dma_start3A_769 = arith.constant 0 : i32
      %dma_start3A_770 = tpu.memref_slice %arg6[%dma_start3A_759, %dma_start3A_768, %dma_start3A_769] : memref<5x128x128xf32, #tpu.memory_space<vmem>> -> memref<1x128x128xf32, #tpu.memory_space<vmem>>
      %dma_start3A_771 = tpu.memref_squeeze %dma_start3A_770 : memref<1x128x128xf32, #tpu.memory_space<vmem>> -> memref<128x128xf32, #tpu.memory_space<vmem>>
      tpu.enqueue_dma source(%dma_start3A_771 : memref<128x128xf32, #tpu.memory_space<vmem>>) target(%dma_start3A_767 : memref<128x128xf32, #tpu.memory_space<hbm>>) target_semaphore(%arg15 : memref<!tpu.dma_semaphore, #tpu.memory_space<semaphore_mem>>)
      %dma_wait3A_772 = arith.constant 0 : i32
      %dma_wait3A_773 = arith.constant 0 : i32
      %dma_wait3A_774 = arith.constant 0 : i32
      %dma_wait3A_775 = tpu.memref_slice %arg6[%dma_wait3A_772, %dma_wait3A_773, %dma_wait3A_774] : memref<5x128x128xf32, #tpu.memory_space<vmem>> -> memref<1x128x128xf32, #tpu.memory_space<vmem>>
      %dma_wait3A_776 = tpu.memref_squeeze %dma_wait3A_775 : memref<1x128x128xf32, #tpu.memory_space<vmem>> -> memref<128x128xf32, #tpu.memory_space<vmem>>
      %dma_wait3A_777 = arith.constant 0 : i32
      %dma_wait3A_778 = tpu.memref_slice %arg4[%mul3A_2, %dma_wait3A_777] : memref<204800x128xf32, #tpu.memory_space<hbm>> -> memref<128x128xf32, #tpu.memory_space<hbm>>
      %dma_wait3A_779 = arith.constant 0 : i32
      %dma_wait3A_780 = tpu.memref_slice %arg4[%mul3A_2, %dma_wait3A_779] : memref<204800x128xf32, #tpu.memory_space<hbm>> -> memref<128x128xf32, #tpu.memory_space<hbm>>
      %dma_wait3A_781 = arith.constant 0 : i32
      %dma_wait3A_782 = arith.constant 0 : i32
      %dma_wait3A_783 = tpu.memref_slice %arg6[%dma_wait3A_772, %dma_wait3A_781, %dma_wait3A_782] : memref<5x128x128xf32, #tpu.memory_space<vmem>> -> memref<1x128x128xf32, #tpu.memory_space<vmem>>
      %dma_wait3A_784 = tpu.memref_squeeze %dma_wait3A_783 : memref<1x128x128xf32, #tpu.memory_space<vmem>> -> memref<128x128xf32, #tpu.memory_space<vmem>>
      tpu.wait_dma2 semaphore(%arg12 : memref<!tpu.dma_semaphore, #tpu.memory_space<semaphore_mem>>) src(%dma_wait3A_784 : memref<128x128xf32, #tpu.memory_space<vmem>>) dst(%dma_wait3A_780 : memref<128x128xf32, #tpu.memory_space<hbm>>)
      %add3A_785 = arith.constant 2 : i32
      %add3A_786 = arith.addi %add3A_740, %add3A_785 : i32
      %dma_start3A_787 = arith.constant 0 : i32
      %dma_start3A_788 = arith.constant 0 : i32
      %dma_start3A_789 = arith.constant 0 : i32
      %dma_start3A_790 = tpu.memref_slice %arg6[%dma_start3A_787, %dma_start3A_788, %dma_start3A_789] : memref<5x128x128xf32, #tpu.memory_space<vmem>> -> memref<1x128x128xf32, #tpu.memory_space<vmem>>
      %dma_start3A_791 = tpu.memref_squeeze %dma_start3A_790 : memref<1x128x128xf32, #tpu.memory_space<vmem>> -> memref<128x128xf32, #tpu.memory_space<vmem>>
      %dma_start3A_792 = arith.constant 0 : i32
      %dma_start3A_793 = tpu.memref_slice %arg5[%add3A_786, %dma_start3A_792] : memref<50x128xi32, #tpu.memory_space<vmem>> -> memref<1x128xi32, #tpu.memory_space<vmem>>
      %dma_start3A_794 = tpu.memref_squeeze %dma_start3A_793 : memref<1x128xi32, #tpu.memory_space<vmem>> -> memref<128xi32, #tpu.memory_space<vmem>>
      %dma_start3A_795 = arith.constant 0 : i32
      %dma_start3A_796 = arith.constant 0 : i32
      %dma_start3A_797 = tpu.memref_slice %arg3[%dma_start3A_795, %dma_start3A_796] : memref<100000x128xf32, #tpu.memory_space<hbm>> -> memref<100000x128xf32, #tpu.memory_space<hbm>>
      tpu.enqueue_indirect_dma source(%dma_start3A_797 : memref<100000x128xf32, #tpu.memory_space<hbm>>) target(%dma_start3A_791 : memref<128x128xf32, #tpu.memory_space<vmem>>) offsets(%dma_start3A_794 : memref<128xi32, #tpu.memory_space<vmem>>) semaphore(%arg7 : memref<!tpu.dma_semaphore, #tpu.memory_space<semaphore_mem>>)
      %add3A_798 = arith.constant 4 : i32
      %add3A_799 = arith.addi %mul3A_561, %add3A_798 : i32
      %dma_wait3A_800 = arith.constant 4 : i32
      %dma_wait3A_801 = arith.constant 0 : i32
      %dma_wait3A_802 = arith.constant 0 : i32
      %dma_wait3A_803 = tpu.memref_slice %arg6[%dma_wait3A_800, %dma_wait3A_801, %dma_wait3A_802] : memref<5x128x128xf32, #tpu.memory_space<vmem>> -> memref<1x128x128xf32, #tpu.memory_space<vmem>>
      %dma_wait3A_804 = tpu.memref_squeeze %dma_wait3A_803 : memref<1x128x128xf32, #tpu.memory_space<vmem>> -> memref<128x128xf32, #tpu.memory_space<vmem>>
      %dma_wait3A_805 = arith.constant 0 : i32
      %dma_wait3A_806 = arith.constant 0 : i32
      %dma_wait3A_807 = tpu.memref_slice %arg3[%dma_wait3A_805, %dma_wait3A_806] : memref<100000x128xf32, #tpu.memory_space<hbm>> -> memref<128x128xf32, #tpu.memory_space<hbm>>
      %dma_wait3A_808 = arith.constant 0 : i32
      %dma_wait3A_809 = arith.constant 0 : i32
      %dma_wait3A_810 = tpu.memref_slice %arg6[%dma_wait3A_800, %dma_wait3A_808, %dma_wait3A_809] : memref<5x128x128xf32, #tpu.memory_space<vmem>> -> memref<1x128x128xf32, #tpu.memory_space<vmem>>
      %dma_wait3A_811 = tpu.memref_squeeze %dma_wait3A_810 : memref<1x128x128xf32, #tpu.memory_space<vmem>> -> memref<128x128xf32, #tpu.memory_space<vmem>>
      %dma_wait3A_812 = arith.constant 0 : i32
      %dma_wait3A_813 = arith.constant 0 : i32
      %dma_wait3A_814 = tpu.memref_slice %arg3[%dma_wait3A_812, %dma_wait3A_813] : memref<100000x128xf32, #tpu.memory_space<hbm>> -> memref<128x128xf32, #tpu.memory_space<hbm>>
      tpu.wait_dma2 semaphore(%arg11 : memref<!tpu.dma_semaphore, #tpu.memory_space<semaphore_mem>>) src(%dma_wait3A_814 : memref<128x128xf32, #tpu.memory_space<hbm>>) dst(%dma_wait3A_811 : memref<128x128xf32, #tpu.memory_space<vmem>>)
      %mul3A_815 = arith.constant 128 : i32
      %mul3A_816 = arith.muli %add3A_799, %mul3A_815 : i32
      %add3A_817 = arith.addi %mul3A_2, %mul3A_816 : i32
      %dma_start3A_818 = arith.constant 4 : i32
      %dma_start3A_819 = arith.constant 0 : i32
      %dma_start3A_820 = arith.constant 0 : i32
      %dma_start3A_821 = tpu.memref_slice %arg6[%dma_start3A_818, %dma_start3A_819, %dma_start3A_820] : memref<5x128x128xf32, #tpu.memory_space<vmem>> -> memref<1x128x128xf32, #tpu.memory_space<vmem>>
      %dma_start3A_822 = tpu.memref_squeeze %dma_start3A_821 : memref<1x128x128xf32, #tpu.memory_space<vmem>> -> memref<128x128xf32, #tpu.memory_space<vmem>>
      %dma_start3A_823 = arith.constant 0 : i32
      %dma_start3A_824 = tpu.memref_slice %arg4[%add3A_817, %dma_start3A_823] : memref<204800x128xf32, #tpu.memory_space<hbm>> -> memref<128x128xf32, #tpu.memory_space<hbm>>
      %dma_start3A_825 = arith.constant 0 : i32
      %dma_start3A_826 = tpu.memref_slice %arg4[%add3A_817, %dma_start3A_825] : memref<204800x128xf32, #tpu.memory_space<hbm>> -> memref<128x128xf32, #tpu.memory_space<hbm>>
      %dma_start3A_827 = arith.constant 0 : i32
      %dma_start3A_828 = arith.constant 0 : i32
      %dma_start3A_829 = tpu.memref_slice %arg6[%dma_start3A_818, %dma_start3A_827, %dma_start3A_828] : memref<5x128x128xf32, #tpu.memory_space<vmem>> -> memref<1x128x128xf32, #tpu.memory_space<vmem>>
      %dma_start3A_830 = tpu.memref_squeeze %dma_start3A_829 : memref<1x128x128xf32, #tpu.memory_space<vmem>> -> memref<128x128xf32, #tpu.memory_space<vmem>>
      tpu.enqueue_dma source(%dma_start3A_830 : memref<128x128xf32, #tpu.memory_space<vmem>>) target(%dma_start3A_826 : memref<128x128xf32, #tpu.memory_space<hbm>>) target_semaphore(%arg16 : memref<!tpu.dma_semaphore, #tpu.memory_space<semaphore_mem>>)
      %dma_wait3A_831 = arith.constant 1 : i32
      %dma_wait3A_832 = arith.constant 0 : i32
      %dma_wait3A_833 = arith.constant 0 : i32
      %dma_wait3A_834 = tpu.memref_slice %arg6[%dma_wait3A_831, %dma_wait3A_832, %dma_wait3A_833] : memref<5x128x128xf32, #tpu.memory_space<vmem>> -> memref<1x128x128xf32, #tpu.memory_space<vmem>>
      %dma_wait3A_835 = tpu.memref_squeeze %dma_wait3A_834 : memref<1x128x128xf32, #tpu.memory_space<vmem>> -> memref<128x128xf32, #tpu.memory_space<vmem>>
      %dma_wait3A_836 = arith.constant 0 : i32
      %dma_wait3A_837 = tpu.memref_slice %arg4[%mul3A_2, %dma_wait3A_836] : memref<204800x128xf32, #tpu.memory_space<hbm>> -> memref<128x128xf32, #tpu.memory_space<hbm>>
      %dma_wait3A_838 = arith.constant 0 : i32
      %dma_wait3A_839 = tpu.memref_slice %arg4[%mul3A_2, %dma_wait3A_838] : memref<204800x128xf32, #tpu.memory_space<hbm>> -> memref<128x128xf32, #tpu.memory_space<hbm>>
      %dma_wait3A_840 = arith.constant 0 : i32
      %dma_wait3A_841 = arith.constant 0 : i32
      %dma_wait3A_842 = tpu.memref_slice %arg6[%dma_wait3A_831, %dma_wait3A_840, %dma_wait3A_841] : memref<5x128x128xf32, #tpu.memory_space<vmem>> -> memref<1x128x128xf32, #tpu.memory_space<vmem>>
      %dma_wait3A_843 = tpu.memref_squeeze %dma_wait3A_842 : memref<1x128x128xf32, #tpu.memory_space<vmem>> -> memref<128x128xf32, #tpu.memory_space<vmem>>
      tpu.wait_dma2 semaphore(%arg13 : memref<!tpu.dma_semaphore, #tpu.memory_space<semaphore_mem>>) src(%dma_wait3A_843 : memref<128x128xf32, #tpu.memory_space<vmem>>) dst(%dma_wait3A_839 : memref<128x128xf32, #tpu.memory_space<hbm>>)
      %add3A_844 = arith.constant 2 : i32
      %add3A_845 = arith.addi %add3A_799, %add3A_844 : i32
      %dma_start3A_846 = arith.constant 1 : i32
      %dma_start3A_847 = arith.constant 0 : i32
      %dma_start3A_848 = arith.constant 0 : i32
      %dma_start3A_849 = tpu.memref_slice %arg6[%dma_start3A_846, %dma_start3A_847, %dma_start3A_848] : memref<5x128x128xf32, #tpu.memory_space<vmem>> -> memref<1x128x128xf32, #tpu.memory_space<vmem>>
      %dma_start3A_850 = tpu.memref_squeeze %dma_start3A_849 : memref<1x128x128xf32, #tpu.memory_space<vmem>> -> memref<128x128xf32, #tpu.memory_space<vmem>>
      %dma_start3A_851 = arith.constant 0 : i32
      %dma_start3A_852 = tpu.memref_slice %arg5[%add3A_845, %dma_start3A_851] : memref<50x128xi32, #tpu.memory_space<vmem>> -> memref<1x128xi32, #tpu.memory_space<vmem>>
      %dma_start3A_853 = tpu.memref_squeeze %dma_start3A_852 : memref<1x128xi32, #tpu.memory_space<vmem>> -> memref<128xi32, #tpu.memory_space<vmem>>
      %dma_start3A_854 = arith.constant 0 : i32
      %dma_start3A_855 = arith.constant 0 : i32
      %dma_start3A_856 = tpu.memref_slice %arg3[%dma_start3A_854, %dma_start3A_855] : memref<100000x128xf32, #tpu.memory_space<hbm>> -> memref<100000x128xf32, #tpu.memory_space<hbm>>
      tpu.enqueue_indirect_dma source(%dma_start3A_856 : memref<100000x128xf32, #tpu.memory_space<hbm>>) target(%dma_start3A_850 : memref<128x128xf32, #tpu.memory_space<vmem>>) offsets(%dma_start3A_853 : memref<128xi32, #tpu.memory_space<vmem>>) semaphore(%arg8 : memref<!tpu.dma_semaphore, #tpu.memory_space<semaphore_mem>>)
    }
    %scan3A_264 = arith.constant 8 : i32
    %dma_wait3A_265 = arith.constant 0 : i32
    %dma_wait3A_266 = arith.constant 0 : i32
    %dma_wait3A_267 = arith.constant 0 : i32
    %dma_wait3A_268 = tpu.memref_slice %arg6[%dma_wait3A_265, %dma_wait3A_266, %dma_wait3A_267] : memref<5x128x128xf32, #tpu.memory_space<vmem>> -> memref<1x128x128xf32, #tpu.memory_space<vmem>>
    %dma_wait3A_269 = tpu.memref_squeeze %dma_wait3A_268 : memref<1x128x128xf32, #tpu.memory_space<vmem>> -> memref<128x128xf32, #tpu.memory_space<vmem>>
    %dma_wait3A_270 = arith.constant 0 : i32
    %dma_wait3A_271 = arith.constant 0 : i32
    %dma_wait3A_272 = tpu.memref_slice %arg3[%dma_wait3A_270, %dma_wait3A_271] : memref<100000x128xf32, #tpu.memory_space<hbm>> -> memref<128x128xf32, #tpu.memory_space<hbm>>
    %dma_wait3A_273 = arith.constant 0 : i32
    %dma_wait3A_274 = arith.constant 0 : i32
    %dma_wait3A_275 = tpu.memref_slice %arg6[%dma_wait3A_265, %dma_wait3A_273, %dma_wait3A_274] : memref<5x128x128xf32, #tpu.memory_space<vmem>> -> memref<1x128x128xf32, #tpu.memory_space<vmem>>
    %dma_wait3A_276 = tpu.memref_squeeze %dma_wait3A_275 : memref<1x128x128xf32, #tpu.memory_space<vmem>> -> memref<128x128xf32, #tpu.memory_space<vmem>>
    %dma_wait3A_277 = arith.constant 0 : i32
    %dma_wait3A_278 = arith.constant 0 : i32
    %dma_wait3A_279 = tpu.memref_slice %arg3[%dma_wait3A_277, %dma_wait3A_278] : memref<100000x128xf32, #tpu.memory_space<hbm>> -> memref<128x128xf32, #tpu.memory_space<hbm>>
    tpu.wait_dma2 semaphore(%arg7 : memref<!tpu.dma_semaphore, #tpu.memory_space<semaphore_mem>>) src(%dma_wait3A_279 : memref<128x128xf32, #tpu.memory_space<hbm>>) dst(%dma_wait3A_276 : memref<128x128xf32, #tpu.memory_space<vmem>>)
    %add3A_280 = arith.constant 5760 : i32
    %add3A_281 = arith.addi %mul3A_2, %add3A_280 : i32
    %dma_start3A_282 = arith.constant 0 : i32
    %dma_start3A_283 = arith.constant 0 : i32
    %dma_start3A_284 = arith.constant 0 : i32
    %dma_start3A_285 = tpu.memref_slice %arg6[%dma_start3A_282, %dma_start3A_283, %dma_start3A_284] : memref<5x128x128xf32, #tpu.memory_space<vmem>> -> memref<1x128x128xf32, #tpu.memory_space<vmem>>
    %dma_start3A_286 = tpu.memref_squeeze %dma_start3A_285 : memref<1x128x128xf32, #tpu.memory_space<vmem>> -> memref<128x128xf32, #tpu.memory_space<vmem>>
    %dma_start3A_287 = arith.constant 0 : i32
    %dma_start3A_288 = tpu.memref_slice %arg4[%add3A_281, %dma_start3A_287] : memref<204800x128xf32, #tpu.memory_space<hbm>> -> memref<128x128xf32, #tpu.memory_space<hbm>>
    %dma_start3A_289 = arith.constant 0 : i32
    %dma_start3A_290 = tpu.memref_slice %arg4[%add3A_281, %dma_start3A_289] : memref<204800x128xf32, #tpu.memory_space<hbm>> -> memref<128x128xf32, #tpu.memory_space<hbm>>
    %dma_start3A_291 = arith.constant 0 : i32
    %dma_start3A_292 = arith.constant 0 : i32
    %dma_start3A_293 = tpu.memref_slice %arg6[%dma_start3A_282, %dma_start3A_291, %dma_start3A_292] : memref<5x128x128xf32, #tpu.memory_space<vmem>> -> memref<1x128x128xf32, #tpu.memory_space<vmem>>
    %dma_start3A_294 = tpu.memref_squeeze %dma_start3A_293 : memref<1x128x128xf32, #tpu.memory_space<vmem>> -> memref<128x128xf32, #tpu.memory_space<vmem>>
    tpu.enqueue_dma source(%dma_start3A_294 : memref<128x128xf32, #tpu.memory_space<vmem>>) target(%dma_start3A_290 : memref<128x128xf32, #tpu.memory_space<hbm>>) target_semaphore(%arg12 : memref<!tpu.dma_semaphore, #tpu.memory_space<semaphore_mem>>)
    %dma_wait3A_295 = arith.constant 2 : i32
    %dma_wait3A_296 = arith.constant 0 : i32
    %dma_wait3A_297 = arith.constant 0 : i32
    %dma_wait3A_298 = tpu.memref_slice %arg6[%dma_wait3A_295, %dma_wait3A_296, %dma_wait3A_297] : memref<5x128x128xf32, #tpu.memory_space<vmem>> -> memref<1x128x128xf32, #tpu.memory_space<vmem>>
    %dma_wait3A_299 = tpu.memref_squeeze %dma_wait3A_298 : memref<1x128x128xf32, #tpu.memory_space<vmem>> -> memref<128x128xf32, #tpu.memory_space<vmem>>
    %dma_wait3A_300 = arith.constant 0 : i32
    %dma_wait3A_301 = tpu.memref_slice %arg4[%mul3A_2, %dma_wait3A_300] : memref<204800x128xf32, #tpu.memory_space<hbm>> -> memref<128x128xf32, #tpu.memory_space<hbm>>
    %dma_wait3A_302 = arith.constant 0 : i32
    %dma_wait3A_303 = tpu.memref_slice %arg4[%mul3A_2, %dma_wait3A_302] : memref<204800x128xf32, #tpu.memory_space<hbm>> -> memref<128x128xf32, #tpu.memory_space<hbm>>
    %dma_wait3A_304 = arith.constant 0 : i32
    %dma_wait3A_305 = arith.constant 0 : i32
    %dma_wait3A_306 = tpu.memref_slice %arg6[%dma_wait3A_295, %dma_wait3A_304, %dma_wait3A_305] : memref<5x128x128xf32, #tpu.memory_space<vmem>> -> memref<1x128x128xf32, #tpu.memory_space<vmem>>
    %dma_wait3A_307 = tpu.memref_squeeze %dma_wait3A_306 : memref<1x128x128xf32, #tpu.memory_space<vmem>> -> memref<128x128xf32, #tpu.memory_space<vmem>>
    tpu.wait_dma2 semaphore(%arg14 : memref<!tpu.dma_semaphore, #tpu.memory_space<semaphore_mem>>) src(%dma_wait3A_307 : memref<128x128xf32, #tpu.memory_space<vmem>>) dst(%dma_wait3A_303 : memref<128x128xf32, #tpu.memory_space<hbm>>)
    %dma_start3A_308 = arith.constant 47 : i32
    %dma_start3A_309 = arith.constant 2 : i32
    %dma_start3A_310 = arith.constant 0 : i32
    %dma_start3A_311 = arith.constant 0 : i32
    %dma_start3A_312 = tpu.memref_slice %arg6[%dma_start3A_309, %dma_start3A_310, %dma_start3A_311] : memref<5x128x128xf32, #tpu.memory_space<vmem>> -> memref<1x128x128xf32, #tpu.memory_space<vmem>>
    %dma_start3A_313 = tpu.memref_squeeze %dma_start3A_312 : memref<1x128x128xf32, #tpu.memory_space<vmem>> -> memref<128x128xf32, #tpu.memory_space<vmem>>
    %dma_start3A_314 = arith.constant 0 : i32
    %dma_start3A_315 = tpu.memref_slice %arg5[%dma_start3A_308, %dma_start3A_314] : memref<50x128xi32, #tpu.memory_space<vmem>> -> memref<1x128xi32, #tpu.memory_space<vmem>>
    %dma_start3A_316 = tpu.memref_squeeze %dma_start3A_315 : memref<1x128xi32, #tpu.memory_space<vmem>> -> memref<128xi32, #tpu.memory_space<vmem>>
    %dma_start3A_317 = arith.constant 0 : i32
    %dma_start3A_318 = arith.constant 0 : i32
    %dma_start3A_319 = tpu.memref_slice %arg3[%dma_start3A_317, %dma_start3A_318] : memref<100000x128xf32, #tpu.memory_space<hbm>> -> memref<100000x128xf32, #tpu.memory_space<hbm>>
    tpu.enqueue_indirect_dma source(%dma_start3A_319 : memref<100000x128xf32, #tpu.memory_space<hbm>>) target(%dma_start3A_313 : memref<128x128xf32, #tpu.memory_space<vmem>>) offsets(%dma_start3A_316 : memref<128xi32, #tpu.memory_space<vmem>>) semaphore(%arg9 : memref<!tpu.dma_semaphore, #tpu.memory_space<semaphore_mem>>)
    %dma_wait3A_320 = arith.constant 1 : i32
    %dma_wait3A_321 = arith.constant 0 : i32
    %dma_wait3A_322 = arith.constant 0 : i32
    %dma_wait3A_323 = tpu.memref_slice %arg6[%dma_wait3A_320, %dma_wait3A_321, %dma_wait3A_322] : memref<5x128x128xf32, #tpu.memory_space<vmem>> -> memref<1x128x128xf32, #tpu.memory_space<vmem>>
    %dma_wait3A_324 = tpu.memref_squeeze %dma_wait3A_323 : memref<1x128x128xf32, #tpu.memory_space<vmem>> -> memref<128x128xf32, #tpu.memory_space<vmem>>
    %dma_wait3A_325 = arith.constant 0 : i32
    %dma_wait3A_326 = arith.constant 0 : i32
    %dma_wait3A_327 = tpu.memref_slice %arg3[%dma_wait3A_325, %dma_wait3A_326] : memref<100000x128xf32, #tpu.memory_space<hbm>> -> memref<128x128xf32, #tpu.memory_space<hbm>>
    %dma_wait3A_328 = arith.constant 0 : i32
    %dma_wait3A_329 = arith.constant 0 : i32
    %dma_wait3A_330 = tpu.memref_slice %arg6[%dma_wait3A_320, %dma_wait3A_328, %dma_wait3A_329] : memref<5x128x128xf32, #tpu.memory_space<vmem>> -> memref<1x128x128xf32, #tpu.memory_space<vmem>>
    %dma_wait3A_331 = tpu.memref_squeeze %dma_wait3A_330 : memref<1x128x128xf32, #tpu.memory_space<vmem>> -> memref<128x128xf32, #tpu.memory_space<vmem>>
    %dma_wait3A_332 = arith.constant 0 : i32
    %dma_wait3A_333 = arith.constant 0 : i32
    %dma_wait3A_334 = tpu.memref_slice %arg3[%dma_wait3A_332, %dma_wait3A_333] : memref<100000x128xf32, #tpu.memory_space<hbm>> -> memref<128x128xf32, #tpu.memory_space<hbm>>
    tpu.wait_dma2 semaphore(%arg8 : memref<!tpu.dma_semaphore, #tpu.memory_space<semaphore_mem>>) src(%dma_wait3A_334 : memref<128x128xf32, #tpu.memory_space<hbm>>) dst(%dma_wait3A_331 : memref<128x128xf32, #tpu.memory_space<vmem>>)
    %add3A_335 = arith.constant 5888 : i32
    %add3A_336 = arith.addi %mul3A_2, %add3A_335 : i32
    %dma_start3A_337 = arith.constant 1 : i32
    %dma_start3A_338 = arith.constant 0 : i32
    %dma_start3A_339 = arith.constant 0 : i32
    %dma_start3A_340 = tpu.memref_slice %arg6[%dma_start3A_337, %dma_start3A_338, %dma_start3A_339] : memref<5x128x128xf32, #tpu.memory_space<vmem>> -> memref<1x128x128xf32, #tpu.memory_space<vmem>>
    %dma_start3A_341 = tpu.memref_squeeze %dma_start3A_340 : memref<1x128x128xf32, #tpu.memory_space<vmem>> -> memref<128x128xf32, #tpu.memory_space<vmem>>
    %dma_start3A_342 = arith.constant 0 : i32
    %dma_start3A_343 = tpu.memref_slice %arg4[%add3A_336, %dma_start3A_342] : memref<204800x128xf32, #tpu.memory_space<hbm>> -> memref<128x128xf32, #tpu.memory_space<hbm>>
    %dma_start3A_344 = arith.constant 0 : i32
    %dma_start3A_345 = tpu.memref_slice %arg4[%add3A_336, %dma_start3A_344] : memref<204800x128xf32, #tpu.memory_space<hbm>> -> memref<128x128xf32, #tpu.memory_space<hbm>>
    %dma_start3A_346 = arith.constant 0 : i32
    %dma_start3A_347 = arith.constant 0 : i32
    %dma_start3A_348 = tpu.memref_slice %arg6[%dma_start3A_337, %dma_start3A_346, %dma_start3A_347] : memref<5x128x128xf32, #tpu.memory_space<vmem>> -> memref<1x128x128xf32, #tpu.memory_space<vmem>>
    %dma_start3A_349 = tpu.memref_squeeze %dma_start3A_348 : memref<1x128x128xf32, #tpu.memory_space<vmem>> -> memref<128x128xf32, #tpu.memory_space<vmem>>
    tpu.enqueue_dma source(%dma_start3A_349 : memref<128x128xf32, #tpu.memory_space<vmem>>) target(%dma_start3A_345 : memref<128x128xf32, #tpu.memory_space<hbm>>) target_semaphore(%arg13 : memref<!tpu.dma_semaphore, #tpu.memory_space<semaphore_mem>>)
    %dma_wait3A_350 = arith.constant 3 : i32
    %dma_wait3A_351 = arith.constant 0 : i32
    %dma_wait3A_352 = arith.constant 0 : i32
    %dma_wait3A_353 = tpu.memref_slice %arg6[%dma_wait3A_350, %dma_wait3A_351, %dma_wait3A_352] : memref<5x128x128xf32, #tpu.memory_space<vmem>> -> memref<1x128x128xf32, #tpu.memory_space<vmem>>
    %dma_wait3A_354 = tpu.memref_squeeze %dma_wait3A_353 : memref<1x128x128xf32, #tpu.memory_space<vmem>> -> memref<128x128xf32, #tpu.memory_space<vmem>>
    %dma_wait3A_355 = arith.constant 0 : i32
    %dma_wait3A_356 = tpu.memref_slice %arg4[%mul3A_2, %dma_wait3A_355] : memref<204800x128xf32, #tpu.memory_space<hbm>> -> memref<128x128xf32, #tpu.memory_space<hbm>>
    %dma_wait3A_357 = arith.constant 0 : i32
    %dma_wait3A_358 = tpu.memref_slice %arg4[%mul3A_2, %dma_wait3A_357] : memref<204800x128xf32, #tpu.memory_space<hbm>> -> memref<128x128xf32, #tpu.memory_space<hbm>>
    %dma_wait3A_359 = arith.constant 0 : i32
    %dma_wait3A_360 = arith.constant 0 : i32
    %dma_wait3A_361 = tpu.memref_slice %arg6[%dma_wait3A_350, %dma_wait3A_359, %dma_wait3A_360] : memref<5x128x128xf32, #tpu.memory_space<vmem>> -> memref<1x128x128xf32, #tpu.memory_space<vmem>>
    %dma_wait3A_362 = tpu.memref_squeeze %dma_wait3A_361 : memref<1x128x128xf32, #tpu.memory_space<vmem>> -> memref<128x128xf32, #tpu.memory_space<vmem>>
    tpu.wait_dma2 semaphore(%arg15 : memref<!tpu.dma_semaphore, #tpu.memory_space<semaphore_mem>>) src(%dma_wait3A_362 : memref<128x128xf32, #tpu.memory_space<vmem>>) dst(%dma_wait3A_358 : memref<128x128xf32, #tpu.memory_space<hbm>>)
    %dma_start3A_363 = arith.constant 48 : i32
    %dma_start3A_364 = arith.constant 3 : i32
    %dma_start3A_365 = arith.constant 0 : i32
    %dma_start3A_366 = arith.constant 0 : i32
    %dma_start3A_367 = tpu.memref_slice %arg6[%dma_start3A_364, %dma_start3A_365, %dma_start3A_366] : memref<5x128x128xf32, #tpu.memory_space<vmem>> -> memref<1x128x128xf32, #tpu.memory_space<vmem>>
    %dma_start3A_368 = tpu.memref_squeeze %dma_start3A_367 : memref<1x128x128xf32, #tpu.memory_space<vmem>> -> memref<128x128xf32, #tpu.memory_space<vmem>>
    %dma_start3A_369 = arith.constant 0 : i32
    %dma_start3A_370 = tpu.memref_slice %arg5[%dma_start3A_363, %dma_start3A_369] : memref<50x128xi32, #tpu.memory_space<vmem>> -> memref<1x128xi32, #tpu.memory_space<vmem>>
    %dma_start3A_371 = tpu.memref_squeeze %dma_start3A_370 : memref<1x128xi32, #tpu.memory_space<vmem>> -> memref<128xi32, #tpu.memory_space<vmem>>
    %dma_start3A_372 = arith.constant 0 : i32
    %dma_start3A_373 = arith.constant 0 : i32
    %dma_start3A_374 = tpu.memref_slice %arg3[%dma_start3A_372, %dma_start3A_373] : memref<100000x128xf32, #tpu.memory_space<hbm>> -> memref<100000x128xf32, #tpu.memory_space<hbm>>
    tpu.enqueue_indirect_dma source(%dma_start3A_374 : memref<100000x128xf32, #tpu.memory_space<hbm>>) target(%dma_start3A_368 : memref<128x128xf32, #tpu.memory_space<vmem>>) offsets(%dma_start3A_371 : memref<128xi32, #tpu.memory_space<vmem>>) semaphore(%arg10 : memref<!tpu.dma_semaphore, #tpu.memory_space<semaphore_mem>>)
    %dma_wait3A_375 = arith.constant 2 : i32
    %dma_wait3A_376 = arith.constant 0 : i32
    %dma_wait3A_377 = arith.constant 0 : i32
    %dma_wait3A_378 = tpu.memref_slice %arg6[%dma_wait3A_375, %dma_wait3A_376, %dma_wait3A_377] : memref<5x128x128xf32, #tpu.memory_space<vmem>> -> memref<1x128x128xf32, #tpu.memory_space<vmem>>
    %dma_wait3A_379 = tpu.memref_squeeze %dma_wait3A_378 : memref<1x128x128xf32, #tpu.memory_space<vmem>> -> memref<128x128xf32, #tpu.memory_space<vmem>>
    %dma_wait3A_380 = arith.constant 0 : i32
    %dma_wait3A_381 = arith.constant 0 : i32
    %dma_wait3A_382 = tpu.memref_slice %arg3[%dma_wait3A_380, %dma_wait3A_381] : memref<100000x128xf32, #tpu.memory_space<hbm>> -> memref<128x128xf32, #tpu.memory_space<hbm>>
    %dma_wait3A_383 = arith.constant 0 : i32
    %dma_wait3A_384 = arith.constant 0 : i32
    %dma_wait3A_385 = tpu.memref_slice %arg6[%dma_wait3A_375, %dma_wait3A_383, %dma_wait3A_384] : memref<5x128x128xf32, #tpu.memory_space<vmem>> -> memref<1x128x128xf32, #tpu.memory_space<vmem>>
    %dma_wait3A_386 = tpu.memref_squeeze %dma_wait3A_385 : memref<1x128x128xf32, #tpu.memory_space<vmem>> -> memref<128x128xf32, #tpu.memory_space<vmem>>
    %dma_wait3A_387 = arith.constant 0 : i32
    %dma_wait3A_388 = arith.constant 0 : i32
    %dma_wait3A_389 = tpu.memref_slice %arg3[%dma_wait3A_387, %dma_wait3A_388] : memref<100000x128xf32, #tpu.memory_space<hbm>> -> memref<128x128xf32, #tpu.memory_space<hbm>>
    tpu.wait_dma2 semaphore(%arg9 : memref<!tpu.dma_semaphore, #tpu.memory_space<semaphore_mem>>) src(%dma_wait3A_389 : memref<128x128xf32, #tpu.memory_space<hbm>>) dst(%dma_wait3A_386 : memref<128x128xf32, #tpu.memory_space<vmem>>)
    %add3A_390 = arith.constant 6016 : i32
    %add3A_391 = arith.addi %mul3A_2, %add3A_390 : i32
    %dma_start3A_392 = arith.constant 2 : i32
    %dma_start3A_393 = arith.constant 0 : i32
    %dma_start3A_394 = arith.constant 0 : i32
    %dma_start3A_395 = tpu.memref_slice %arg6[%dma_start3A_392, %dma_start3A_393, %dma_start3A_394] : memref<5x128x128xf32, #tpu.memory_space<vmem>> -> memref<1x128x128xf32, #tpu.memory_space<vmem>>
    %dma_start3A_396 = tpu.memref_squeeze %dma_start3A_395 : memref<1x128x128xf32, #tpu.memory_space<vmem>> -> memref<128x128xf32, #tpu.memory_space<vmem>>
    %dma_start3A_397 = arith.constant 0 : i32
    %dma_start3A_398 = tpu.memref_slice %arg4[%add3A_391, %dma_start3A_397] : memref<204800x128xf32, #tpu.memory_space<hbm>> -> memref<128x128xf32, #tpu.memory_space<hbm>>
    %dma_start3A_399 = arith.constant 0 : i32
    %dma_start3A_400 = tpu.memref_slice %arg4[%add3A_391, %dma_start3A_399] : memref<204800x128xf32, #tpu.memory_space<hbm>> -> memref<128x128xf32, #tpu.memory_space<hbm>>
    %dma_start3A_401 = arith.constant 0 : i32
    %dma_start3A_402 = arith.constant 0 : i32
    %dma_start3A_403 = tpu.memref_slice %arg6[%dma_start3A_392, %dma_start3A_401, %dma_start3A_402] : memref<5x128x128xf32, #tpu.memory_space<vmem>> -> memref<1x128x128xf32, #tpu.memory_space<vmem>>
    %dma_start3A_404 = tpu.memref_squeeze %dma_start3A_403 : memref<1x128x128xf32, #tpu.memory_space<vmem>> -> memref<128x128xf32, #tpu.memory_space<vmem>>
    tpu.enqueue_dma source(%dma_start3A_404 : memref<128x128xf32, #tpu.memory_space<vmem>>) target(%dma_start3A_400 : memref<128x128xf32, #tpu.memory_space<hbm>>) target_semaphore(%arg14 : memref<!tpu.dma_semaphore, #tpu.memory_space<semaphore_mem>>)
    %dma_wait3A_405 = arith.constant 4 : i32
    %dma_wait3A_406 = arith.constant 0 : i32
    %dma_wait3A_407 = arith.constant 0 : i32
    %dma_wait3A_408 = tpu.memref_slice %arg6[%dma_wait3A_405, %dma_wait3A_406, %dma_wait3A_407] : memref<5x128x128xf32, #tpu.memory_space<vmem>> -> memref<1x128x128xf32, #tpu.memory_space<vmem>>
    %dma_wait3A_409 = tpu.memref_squeeze %dma_wait3A_408 : memref<1x128x128xf32, #tpu.memory_space<vmem>> -> memref<128x128xf32, #tpu.memory_space<vmem>>
    %dma_wait3A_410 = arith.constant 0 : i32
    %dma_wait3A_411 = tpu.memref_slice %arg4[%mul3A_2, %dma_wait3A_410] : memref<204800x128xf32, #tpu.memory_space<hbm>> -> memref<128x128xf32, #tpu.memory_space<hbm>>
    %dma_wait3A_412 = arith.constant 0 : i32
    %dma_wait3A_413 = tpu.memref_slice %arg4[%mul3A_2, %dma_wait3A_412] : memref<204800x128xf32, #tpu.memory_space<hbm>> -> memref<128x128xf32, #tpu.memory_space<hbm>>
    %dma_wait3A_414 = arith.constant 0 : i32
    %dma_wait3A_415 = arith.constant 0 : i32
    %dma_wait3A_416 = tpu.memref_slice %arg6[%dma_wait3A_405, %dma_wait3A_414, %dma_wait3A_415] : memref<5x128x128xf32, #tpu.memory_space<vmem>> -> memref<1x128x128xf32, #tpu.memory_space<vmem>>
    %dma_wait3A_417 = tpu.memref_squeeze %dma_wait3A_416 : memref<1x128x128xf32, #tpu.memory_space<vmem>> -> memref<128x128xf32, #tpu.memory_space<vmem>>
    tpu.wait_dma2 semaphore(%arg16 : memref<!tpu.dma_semaphore, #tpu.memory_space<semaphore_mem>>) src(%dma_wait3A_417 : memref<128x128xf32, #tpu.memory_space<vmem>>) dst(%dma_wait3A_413 : memref<128x128xf32, #tpu.memory_space<hbm>>)
    %dma_start3A_418 = arith.constant 49 : i32
    %dma_start3A_419 = arith.constant 4 : i32
    %dma_start3A_420 = arith.constant 0 : i32
    %dma_start3A_421 = arith.constant 0 : i32
    %dma_start3A_422 = tpu.memref_slice %arg6[%dma_start3A_419, %dma_start3A_420, %dma_start3A_421] : memref<5x128x128xf32, #tpu.memory_space<vmem>> -> memref<1x128x128xf32, #tpu.memory_space<vmem>>
    %dma_start3A_423 = tpu.memref_squeeze %dma_start3A_422 : memref<1x128x128xf32, #tpu.memory_space<vmem>> -> memref<128x128xf32, #tpu.memory_space<vmem>>
    %dma_start3A_424 = arith.constant 0 : i32
    %dma_start3A_425 = tpu.memref_slice %arg5[%dma_start3A_418, %dma_start3A_424] : memref<50x128xi32, #tpu.memory_space<vmem>> -> memref<1x128xi32, #tpu.memory_space<vmem>>
    %dma_start3A_426 = tpu.memref_squeeze %dma_start3A_425 : memref<1x128xi32, #tpu.memory_space<vmem>> -> memref<128xi32, #tpu.memory_space<vmem>>
    %dma_start3A_427 = arith.constant 0 : i32
    %dma_start3A_428 = arith.constant 0 : i32
    %dma_start3A_429 = tpu.memref_slice %arg3[%dma_start3A_427, %dma_start3A_428] : memref<100000x128xf32, #tpu.memory_space<hbm>> -> memref<100000x128xf32, #tpu.memory_space<hbm>>
    tpu.enqueue_indirect_dma source(%dma_start3A_429 : memref<100000x128xf32, #tpu.memory_space<hbm>>) target(%dma_start3A_423 : memref<128x128xf32, #tpu.memory_space<vmem>>) offsets(%dma_start3A_426 : memref<128xi32, #tpu.memory_space<vmem>>) semaphore(%arg11 : memref<!tpu.dma_semaphore, #tpu.memory_space<semaphore_mem>>)
    %dma_wait3A_430 = arith.constant 3 : i32
    %dma_wait3A_431 = arith.constant 0 : i32
    %dma_wait3A_432 = arith.constant 0 : i32
    %dma_wait3A_433 = tpu.memref_slice %arg6[%dma_wait3A_430, %dma_wait3A_431, %dma_wait3A_432] : memref<5x128x128xf32, #tpu.memory_space<vmem>> -> memref<1x128x128xf32, #tpu.memory_space<vmem>>
    %dma_wait3A_434 = tpu.memref_squeeze %dma_wait3A_433 : memref<1x128x128xf32, #tpu.memory_space<vmem>> -> memref<128x128xf32, #tpu.memory_space<vmem>>
    %dma_wait3A_435 = arith.constant 0 : i32
    %dma_wait3A_436 = arith.constant 0 : i32
    %dma_wait3A_437 = tpu.memref_slice %arg3[%dma_wait3A_435, %dma_wait3A_436] : memref<100000x128xf32, #tpu.memory_space<hbm>> -> memref<128x128xf32, #tpu.memory_space<hbm>>
    %dma_wait3A_438 = arith.constant 0 : i32
    %dma_wait3A_439 = arith.constant 0 : i32
    %dma_wait3A_440 = tpu.memref_slice %arg6[%dma_wait3A_430, %dma_wait3A_438, %dma_wait3A_439] : memref<5x128x128xf32, #tpu.memory_space<vmem>> -> memref<1x128x128xf32, #tpu.memory_space<vmem>>
    %dma_wait3A_441 = tpu.memref_squeeze %dma_wait3A_440 : memref<1x128x128xf32, #tpu.memory_space<vmem>> -> memref<128x128xf32, #tpu.memory_space<vmem>>
    %dma_wait3A_442 = arith.constant 0 : i32
    %dma_wait3A_443 = arith.constant 0 : i32
    %dma_wait3A_444 = tpu.memref_slice %arg3[%dma_wait3A_442, %dma_wait3A_443] : memref<100000x128xf32, #tpu.memory_space<hbm>> -> memref<128x128xf32, #tpu.memory_space<hbm>>
    tpu.wait_dma2 semaphore(%arg10 : memref<!tpu.dma_semaphore, #tpu.memory_space<semaphore_mem>>) src(%dma_wait3A_444 : memref<128x128xf32, #tpu.memory_space<hbm>>) dst(%dma_wait3A_441 : memref<128x128xf32, #tpu.memory_space<vmem>>)
    %add3A_445 = arith.constant 6144 : i32
    %add3A_446 = arith.addi %mul3A_2, %add3A_445 : i32
    %dma_start3A_447 = arith.constant 3 : i32
    %dma_start3A_448 = arith.constant 0 : i32
    %dma_start3A_449 = arith.constant 0 : i32
    %dma_start3A_450 = tpu.memref_slice %arg6[%dma_start3A_447, %dma_start3A_448, %dma_start3A_449] : memref<5x128x128xf32, #tpu.memory_space<vmem>> -> memref<1x128x128xf32, #tpu.memory_space<vmem>>
    %dma_start3A_451 = tpu.memref_squeeze %dma_start3A_450 : memref<1x128x128xf32, #tpu.memory_space<vmem>> -> memref<128x128xf32, #tpu.memory_space<vmem>>
    %dma_start3A_452 = arith.constant 0 : i32
    %dma_start3A_453 = tpu.memref_slice %arg4[%add3A_446, %dma_start3A_452] : memref<204800x128xf32, #tpu.memory_space<hbm>> -> memref<128x128xf32, #tpu.memory_space<hbm>>
    %dma_start3A_454 = arith.constant 0 : i32
    %dma_start3A_455 = tpu.memref_slice %arg4[%add3A_446, %dma_start3A_454] : memref<204800x128xf32, #tpu.memory_space<hbm>> -> memref<128x128xf32, #tpu.memory_space<hbm>>
    %dma_start3A_456 = arith.constant 0 : i32
    %dma_start3A_457 = arith.constant 0 : i32
    %dma_start3A_458 = tpu.memref_slice %arg6[%dma_start3A_447, %dma_start3A_456, %dma_start3A_457] : memref<5x128x128xf32, #tpu.memory_space<vmem>> -> memref<1x128x128xf32, #tpu.memory_space<vmem>>
    %dma_start3A_459 = tpu.memref_squeeze %dma_start3A_458 : memref<1x128x128xf32, #tpu.memory_space<vmem>> -> memref<128x128xf32, #tpu.memory_space<vmem>>
    tpu.enqueue_dma source(%dma_start3A_459 : memref<128x128xf32, #tpu.memory_space<vmem>>) target(%dma_start3A_455 : memref<128x128xf32, #tpu.memory_space<hbm>>) target_semaphore(%arg15 : memref<!tpu.dma_semaphore, #tpu.memory_space<semaphore_mem>>)
    %dma_wait3A_460 = arith.constant 4 : i32
    %dma_wait3A_461 = arith.constant 0 : i32
    %dma_wait3A_462 = arith.constant 0 : i32
    %dma_wait3A_463 = tpu.memref_slice %arg6[%dma_wait3A_460, %dma_wait3A_461, %dma_wait3A_462] : memref<5x128x128xf32, #tpu.memory_space<vmem>> -> memref<1x128x128xf32, #tpu.memory_space<vmem>>
    %dma_wait3A_464 = tpu.memref_squeeze %dma_wait3A_463 : memref<1x128x128xf32, #tpu.memory_space<vmem>> -> memref<128x128xf32, #tpu.memory_space<vmem>>
    %dma_wait3A_465 = arith.constant 0 : i32
    %dma_wait3A_466 = arith.constant 0 : i32
    %dma_wait3A_467 = tpu.memref_slice %arg3[%dma_wait3A_465, %dma_wait3A_466] : memref<100000x128xf32, #tpu.memory_space<hbm>> -> memref<128x128xf32, #tpu.memory_space<hbm>>
    %dma_wait3A_468 = arith.constant 0 : i32
    %dma_wait3A_469 = arith.constant 0 : i32
    %dma_wait3A_470 = tpu.memref_slice %arg6[%dma_wait3A_460, %dma_wait3A_468, %dma_wait3A_469] : memref<5x128x128xf32, #tpu.memory_space<vmem>> -> memref<1x128x128xf32, #tpu.memory_space<vmem>>
    %dma_wait3A_471 = tpu.memref_squeeze %dma_wait3A_470 : memref<1x128x128xf32, #tpu.memory_space<vmem>> -> memref<128x128xf32, #tpu.memory_space<vmem>>
    %dma_wait3A_472 = arith.constant 0 : i32
    %dma_wait3A_473 = arith.constant 0 : i32
    %dma_wait3A_474 = tpu.memref_slice %arg3[%dma_wait3A_472, %dma_wait3A_473] : memref<100000x128xf32, #tpu.memory_space<hbm>> -> memref<128x128xf32, #tpu.memory_space<hbm>>
    tpu.wait_dma2 semaphore(%arg11 : memref<!tpu.dma_semaphore, #tpu.memory_space<semaphore_mem>>) src(%dma_wait3A_474 : memref<128x128xf32, #tpu.memory_space<hbm>>) dst(%dma_wait3A_471 : memref<128x128xf32, #tpu.memory_space<vmem>>)
    %add3A_475 = arith.constant 6272 : i32
    %add3A_476 = arith.addi %mul3A_2, %add3A_475 : i32
    %dma_start3A_477 = arith.constant 4 : i32
    %dma_start3A_478 = arith.constant 0 : i32
    %dma_start3A_479 = arith.constant 0 : i32
    %dma_start3A_480 = tpu.memref_slice %arg6[%dma_start3A_477, %dma_start3A_478, %dma_start3A_479] : memref<5x128x128xf32, #tpu.memory_space<vmem>> -> memref<1x128x128xf32, #tpu.memory_space<vmem>>
    %dma_start3A_481 = tpu.memref_squeeze %dma_start3A_480 : memref<1x128x128xf32, #tpu.memory_space<vmem>> -> memref<128x128xf32, #tpu.memory_space<vmem>>
    %dma_start3A_482 = arith.constant 0 : i32
    %dma_start3A_483 = tpu.memref_slice %arg4[%add3A_476, %dma_start3A_482] : memref<204800x128xf32, #tpu.memory_space<hbm>> -> memref<128x128xf32, #tpu.memory_space<hbm>>
    %dma_start3A_484 = arith.constant 0 : i32
    %dma_start3A_485 = tpu.memref_slice %arg4[%add3A_476, %dma_start3A_484] : memref<204800x128xf32, #tpu.memory_space<hbm>> -> memref<128x128xf32, #tpu.memory_space<hbm>>
    %dma_start3A_486 = arith.constant 0 : i32
    %dma_start3A_487 = arith.constant 0 : i32
    %dma_start3A_488 = tpu.memref_slice %arg6[%dma_start3A_477, %dma_start3A_486, %dma_start3A_487] : memref<5x128x128xf32, #tpu.memory_space<vmem>> -> memref<1x128x128xf32, #tpu.memory_space<vmem>>
    %dma_start3A_489 = tpu.memref_squeeze %dma_start3A_488 : memref<1x128x128xf32, #tpu.memory_space<vmem>> -> memref<128x128xf32, #tpu.memory_space<vmem>>
    tpu.enqueue_dma source(%dma_start3A_489 : memref<128x128xf32, #tpu.memory_space<vmem>>) target(%dma_start3A_485 : memref<128x128xf32, #tpu.memory_space<hbm>>) target_semaphore(%arg16 : memref<!tpu.dma_semaphore, #tpu.memory_space<semaphore_mem>>)
    %dma_wait3A_490 = arith.constant 0 : i32
    %dma_wait3A_491 = arith.constant 0 : i32
    %dma_wait3A_492 = arith.constant 0 : i32
    %dma_wait3A_493 = tpu.memref_slice %arg6[%dma_wait3A_490, %dma_wait3A_491, %dma_wait3A_492] : memref<5x128x128xf32, #tpu.memory_space<vmem>> -> memref<1x128x128xf32, #tpu.memory_space<vmem>>
    %dma_wait3A_494 = tpu.memref_squeeze %dma_wait3A_493 : memref<1x128x128xf32, #tpu.memory_space<vmem>> -> memref<128x128xf32, #tpu.memory_space<vmem>>
    %dma_wait3A_495 = arith.constant 0 : i32
    %dma_wait3A_496 = tpu.memref_slice %arg4[%mul3A_2, %dma_wait3A_495] : memref<204800x128xf32, #tpu.memory_space<hbm>> -> memref<128x128xf32, #tpu.memory_space<hbm>>
    %dma_wait3A_497 = arith.constant 0 : i32
    %dma_wait3A_498 = tpu.memref_slice %arg4[%mul3A_2, %dma_wait3A_497] : memref<204800x128xf32, #tpu.memory_space<hbm>> -> memref<128x128xf32, #tpu.memory_space<hbm>>
    %dma_wait3A_499 = arith.constant 0 : i32
    %dma_wait3A_500 = arith.constant 0 : i32
    %dma_wait3A_501 = tpu.memref_slice %arg6[%dma_wait3A_490, %dma_wait3A_499, %dma_wait3A_500] : memref<5x128x128xf32, #tpu.memory_space<vmem>> -> memref<1x128x128xf32, #tpu.memory_space<vmem>>
    %dma_wait3A_502 = tpu.memref_squeeze %dma_wait3A_501 : memref<1x128x128xf32, #tpu.memory_space<vmem>> -> memref<128x128xf32, #tpu.memory_space<vmem>>
    tpu.wait_dma2 semaphore(%arg12 : memref<!tpu.dma_semaphore, #tpu.memory_space<semaphore_mem>>) src(%dma_wait3A_502 : memref<128x128xf32, #tpu.memory_space<vmem>>) dst(%dma_wait3A_498 : memref<128x128xf32, #tpu.memory_space<hbm>>)
    %dma_wait3A_503 = arith.constant 1 : i32
    %dma_wait3A_504 = arith.constant 0 : i32
    %dma_wait3A_505 = arith.constant 0 : i32
    %dma_wait3A_506 = tpu.memref_slice %arg6[%dma_wait3A_503, %dma_wait3A_504, %dma_wait3A_505] : memref<5x128x128xf32, #tpu.memory_space<vmem>> -> memref<1x128x128xf32, #tpu.memory_space<vmem>>
    %dma_wait3A_507 = tpu.memref_squeeze %dma_wait3A_506 : memref<1x128x128xf32, #tpu.memory_space<vmem>> -> memref<128x128xf32, #tpu.memory_space<vmem>>
    %dma_wait3A_508 = arith.constant 0 : i32
    %dma_wait3A_509 = tpu.memref_slice %arg4[%mul3A_2, %dma_wait3A_508] : memref<204800x128xf32, #tpu.memory_space<hbm>> -> memref<128x128xf32, #tpu.memory_space<hbm>>
    %dma_wait3A_510 = arith.constant 0 : i32
    %dma_wait3A_511 = tpu.memref_slice %arg4[%mul3A_2, %dma_wait3A_510] : memref<204800x128xf32, #tpu.memory_space<hbm>> -> memref<128x128xf32, #tpu.memory_space<hbm>>
    %dma_wait3A_512 = arith.constant 0 : i32
    %dma_wait3A_513 = arith.constant 0 : i32
    %dma_wait3A_514 = tpu.memref_slice %arg6[%dma_wait3A_503, %dma_wait3A_512, %dma_wait3A_513] : memref<5x128x128xf32, #tpu.memory_space<vmem>> -> memref<1x128x128xf32, #tpu.memory_space<vmem>>
    %dma_wait3A_515 = tpu.memref_squeeze %dma_wait3A_514 : memref<1x128x128xf32, #tpu.memory_space<vmem>> -> memref<128x128xf32, #tpu.memory_space<vmem>>
    tpu.wait_dma2 semaphore(%arg13 : memref<!tpu.dma_semaphore, #tpu.memory_space<semaphore_mem>>) src(%dma_wait3A_515 : memref<128x128xf32, #tpu.memory_space<vmem>>) dst(%dma_wait3A_511 : memref<128x128xf32, #tpu.memory_space<hbm>>)
    %dma_wait3A_516 = arith.constant 2 : i32
    %dma_wait3A_517 = arith.constant 0 : i32
    %dma_wait3A_518 = arith.constant 0 : i32
    %dma_wait3A_519 = tpu.memref_slice %arg6[%dma_wait3A_516, %dma_wait3A_517, %dma_wait3A_518] : memref<5x128x128xf32, #tpu.memory_space<vmem>> -> memref<1x128x128xf32, #tpu.memory_space<vmem>>
    %dma_wait3A_520 = tpu.memref_squeeze %dma_wait3A_519 : memref<1x128x128xf32, #tpu.memory_space<vmem>> -> memref<128x128xf32, #tpu.memory_space<vmem>>
    %dma_wait3A_521 = arith.constant 0 : i32
    %dma_wait3A_522 = tpu.memref_slice %arg4[%mul3A_2, %dma_wait3A_521] : memref<204800x128xf32, #tpu.memory_space<hbm>> -> memref<128x128xf32, #tpu.memory_space<hbm>>
    %dma_wait3A_523 = arith.constant 0 : i32
    %dma_wait3A_524 = tpu.memref_slice %arg4[%mul3A_2, %dma_wait3A_523] : memref<204800x128xf32, #tpu.memory_space<hbm>> -> memref<128x128xf32, #tpu.memory_space<hbm>>
    %dma_wait3A_525 = arith.constant 0 : i32
    %dma_wait3A_526 = arith.constant 0 : i32
    %dma_wait3A_527 = tpu.memref_slice %arg6[%dma_wait3A_516, %dma_wait3A_525, %dma_wait3A_526] : memref<5x128x128xf32, #tpu.memory_space<vmem>> -> memref<1x128x128xf32, #tpu.memory_space<vmem>>
    %dma_wait3A_528 = tpu.memref_squeeze %dma_wait3A_527 : memref<1x128x128xf32, #tpu.memory_space<vmem>> -> memref<128x128xf32, #tpu.memory_space<vmem>>
    tpu.wait_dma2 semaphore(%arg14 : memref<!tpu.dma_semaphore, #tpu.memory_space<semaphore_mem>>) src(%dma_wait3A_528 : memref<128x128xf32, #tpu.memory_space<vmem>>) dst(%dma_wait3A_524 : memref<128x128xf32, #tpu.memory_space<hbm>>)
    %dma_wait3A_529 = arith.constant 3 : i32
    %dma_wait3A_530 = arith.constant 0 : i32
    %dma_wait3A_531 = arith.constant 0 : i32
    %dma_wait3A_532 = tpu.memref_slice %arg6[%dma_wait3A_529, %dma_wait3A_530, %dma_wait3A_531] : memref<5x128x128xf32, #tpu.memory_space<vmem>> -> memref<1x128x128xf32, #tpu.memory_space<vmem>>
    %dma_wait3A_533 = tpu.memref_squeeze %dma_wait3A_532 : memref<1x128x128xf32, #tpu.memory_space<vmem>> -> memref<128x128xf32, #tpu.memory_space<vmem>>
    %dma_wait3A_534 = arith.constant 0 : i32
    %dma_wait3A_535 = tpu.memref_slice %arg4[%mul3A_2, %dma_wait3A_534] : memref<204800x128xf32, #tpu.memory_space<hbm>> -> memref<128x128xf32, #tpu.memory_space<hbm>>
    %dma_wait3A_536 = arith.constant 0 : i32
    %dma_wait3A_537 = tpu.memref_slice %arg4[%mul3A_2, %dma_wait3A_536] : memref<204800x128xf32, #tpu.memory_space<hbm>> -> memref<128x128xf32, #tpu.memory_space<hbm>>
    %dma_wait3A_538 = arith.constant 0 : i32
    %dma_wait3A_539 = arith.constant 0 : i32
    %dma_wait3A_540 = tpu.memref_slice %arg6[%dma_wait3A_529, %dma_wait3A_538, %dma_wait3A_539] : memref<5x128x128xf32, #tpu.memory_space<vmem>> -> memref<1x128x128xf32, #tpu.memory_space<vmem>>
    %dma_wait3A_541 = tpu.memref_squeeze %dma_wait3A_540 : memref<1x128x128xf32, #tpu.memory_space<vmem>> -> memref<128x128xf32, #tpu.memory_space<vmem>>
    tpu.wait_dma2 semaphore(%arg15 : memref<!tpu.dma_semaphore, #tpu.memory_space<semaphore_mem>>) src(%dma_wait3A_541 : memref<128x128xf32, #tpu.memory_space<vmem>>) dst(%dma_wait3A_537 : memref<128x128xf32, #tpu.memory_space<hbm>>)
    %dma_wait3A_542 = arith.constant 4 : i32
    %dma_wait3A_543 = arith.constant 0 : i32
    %dma_wait3A_544 = arith.constant 0 : i32
    %dma_wait3A_545 = tpu.memref_slice %arg6[%dma_wait3A_542, %dma_wait3A_543, %dma_wait3A_544] : memref<5x128x128xf32, #tpu.memory_space<vmem>> -> memref<1x128x128xf32, #tpu.memory_space<vmem>>
    %dma_wait3A_546 = tpu.memref_squeeze %dma_wait3A_545 : memref<1x128x128xf32, #tpu.memory_space<vmem>> -> memref<128x128xf32, #tpu.memory_space<vmem>>
    %dma_wait3A_547 = arith.constant 0 : i32
    %dma_wait3A_548 = tpu.memref_slice %arg4[%mul3A_2, %dma_wait3A_547] : memref<204800x128xf32, #tpu.memory_space<hbm>> -> memref<128x128xf32, #tpu.memory_space<hbm>>
    %dma_wait3A_549 = arith.constant 0 : i32
    %dma_wait3A_550 = tpu.memref_slice %arg4[%mul3A_2, %dma_wait3A_549] : memref<204800x128xf32, #tpu.memory_space<hbm>> -> memref<128x128xf32, #tpu.memory_space<hbm>>
    %dma_wait3A_551 = arith.constant 0 : i32
    %dma_wait3A_552 = arith.constant 0 : i32
    %dma_wait3A_553 = tpu.memref_slice %arg6[%dma_wait3A_542, %dma_wait3A_551, %dma_wait3A_552] : memref<5x128x128xf32, #tpu.memory_space<vmem>> -> memref<1x128x128xf32, #tpu.memory_space<vmem>>
    %dma_wait3A_554 = tpu.memref_squeeze %dma_wait3A_553 : memref<1x128x128xf32, #tpu.memory_space<vmem>> -> memref<128x128xf32, #tpu.memory_space<vmem>>
    tpu.wait_dma2 semaphore(%arg16 : memref<!tpu.dma_semaphore, #tpu.memory_space<semaphore_mem>>) src(%dma_wait3A_554 : memref<128x128xf32, #tpu.memory_space<vmem>>) dst(%dma_wait3A_550 : memref<128x128xf32, #tpu.memory_space<hbm>>)
    return
  }
}

</mosaic_0001>

<sc_bundles>
// kernel: kernel.3.cloned.1.call-start
scs
__scs_entry_jumppad:
0x0: {  	(pc) =	sbr.rel $0x88, $3  }
0x1: {  	(tag) =	ssettag $0x0;
	lr =	simm.s32 $0x1  }
0x2: {  	[smem:$0x3F9F] =	sst lr;
	_ =	strace $0xD0000000  }
0x3: {  	_ = 	snop  }
0x4: {  	_ = 	snop  }
0x5: {  	_ = 	snop  }
0x6: {  	_ = 	snop  }
0x7: {  	_ = 	snop  }
__scs_overlays_trampoline_lowered:
0x8: {  	[smem:$0x3FAE] =	sst s0  }
0x9: {  	[smem:$0x3FAF] =	sst s1  }
0xa: {  	[smem:$0x3FB0] =	sst s2  }
0xb: {  	[smem:$0x3FB1] =	sst s3  }
0xc: {  	[smem:$0x3FB2] =	sst s4  }
0xd: {  	[smem:$0x3FB3] =	sst s5  }
0xe: {  	[smem:$0x3FB4] =	sst s6  }
0xf: {  	[smem:$0x3FB5] =	sst s7  }
0x10: {  	[smem:$0x3FB6] =	sst s8  }
0x11: {  	[smem:$0x3FB7] =	sst s9;
	s0 =	simm.s32 @!p0 $0x0  }
0x12: {  	s1 =	sld [smem:$0x3F9D];
	s0 =	simm.s32 @p0 $0x1  }
0x13: {  	[smem:$0x3FB8] =	sst s0;
	s0 =	simm.s32 @!p1 $0x0  }
0x14: {  	s2 =	sld [smem:$0x3F9C];
	s0 =	simm.s32 @p1 $0x1  }
0x15: {  	[smem:$0x3FB9] =	sst s0;
	s0 =	simm.s32 @!p2 $0x0  }
0x16: {  	s3 =	sld [smem:$0x3FDB];
	s0 =	simm.s32 @p2 $0x1  }
0x17: {  	s4 =	simm.s32 $0x1BF5;
	[smem:$0x3FBB] =	sst s0  }
0x18: {  	s0 =	sld [smem:$0x3F9E];
	_ =	swait.ge [sflag:s4], $0x0  }
0x19: {  	s7 =	sld [smem:$0x3F9F]  }
0x1a: {  	s8 =	sadd.s32 $0xFFFFE003, lr  }
0x1b: {  	s9 =	sadd.s32 $0xFFFFFEF7, lr;
	s5 =	simm.s32 $0xFFFFFFFF;
	p2 =	slt.u32 s8, $0xFFFFF086  }
0x1c: {  	p1 =	slt.u32 s9, $0xF7A;
	s5 =	simm.s32 @!p2 $0x0  }
0x1d: {  	s5 =	simm.s32 @p1 $0x1;
	p0 =	seq.s32 s7, s2  }
0x1e: {  	s7 =	smul.u32 @!p0 $0xF7A, s2;
	p2 =	seq.s32 @!p0 s5, $0x0  }
0x1f: {  	s9 =	smul.u32 $0xF7A, s1;
	s8 =	simm.s32 @!p0 $0x1BF5;
	p2 =	por !p2, p0  }
0x20: {  	[sflag:s8] =	ssyncset.s32 @!p0 $0xFFFFF086;
	s6 =	sadd.s32 @!p0 s3, s7;
	s7 =	simm.s32 @!p0 $0x108  }
0x21: {  	s3 =	sadd.s32 s3, s9;
	s6 =	sadd.s32 @!p0 $0x88, s6;
	s7 =	simm.s32 @p2 $0x1082  }
0x22: {  	[simem:s7], [sflag:s8] =	dma.local @!p0 [hbm:s6], $0xF7A  }
0x23: {  	s9 =	sor.u32 $0xD0000000, s2;
	s6 =	simm.s32 $0x108;
	_ =	swait.ge @!p0 [sflag:s8], $0x0  }
0x24: {  	s3 =	sadd.s32 $0x88, s3;
	s6 =	simm.s32 @!p1 $0x1082;
	[sflag:s4] =	ssyncset.s32 $0xFFFFF086  }
0x25: {  	[simem:s6], [sflag:s4] =	dma.local [hbm:s3], $0xF7A  }
0x26: {  	[smem:$0x3F9F] =	sst s1;
	(tag) =	ssettag s2;
	_ =	strace s9  }
0x27: {  	s1 =	sld [smem:$0x3FAF]  }
0x28: {  	s2 =	sld [smem:$0x3FB0]  }
0x29: {  	s4 =	sld [smem:$0x3FB2]  }
0x2a: {  	p0 =	seq.s32 s5, $0x0;
	s5 =	sld [smem:$0x3FB3]  }
0x2b: {  	s6 =	sld [smem:$0x3FB4]  }
0x2c: {  	s7 =	sld [smem:$0x3FB5]  }
0x2d: {  	s3 =	simm.s32 $0x108;
	s8 =	sld [smem:$0x3FB6]  }
0x2e: {  	s3 =	simm.s32 @!p0 $0x1082;
	s9 =	sld [smem:$0x3FB7]  }
0x2f: {  	lr =	sadd.s32 s0, s3;
	s0 =	sld [smem:$0x3FAE]  }
0x30: {  	s3 =	sld [smem:$0x3FB1]  }
0x31: {  	[smem:$0x3FBA] =	sst s10  }
0x32: {  	s10 =	sld [smem:$0x3FB8];
	_ =	sdelay $0x3  }
0x33: {  	p0 =	seq.s32 s10, $0x1;
	s10 =	sld [smem:$0x3FBA];
	_ =	sdelay $0x3  }
0x34: {  	[smem:$0x3FBA] =	sst s10  }
0x35: {  	s10 =	sld [smem:$0x3FB9];
	_ =	sdelay $0x3  }
0x36: {  	p1 =	seq.s32 s10, $0x1;
	s10 =	sld [smem:$0x3FBA];
	_ =	sdelay $0x3  }
0x37: {  	[smem:$0x3FBA] =	sst s10  }
0x38: {  	s10 =	sld [smem:$0x3FBB]  }
0x39: {  	_ = 	snop;
	(pc) =	sbr.ind lr, $3  }
0x3a: {  	_ = 	snop  }
0x3b: {  	_ = 	snop  }
0x3c: {  	p2 =	seq.s32 s10, $0x1;
	s10 =	sld [smem:$0x3FBA]  }
0x3d: {  	_ =	shalt  }
0x3e: {  	_ =	shalt  }
0x3f: {  	_ =	shalt  }
0x40: {  	_ =	shalt  }
0x41: {  	_ =	shalt  }
0x42: {  	_ =	shalt  }
0x43: {  	_ =	shalt  }
0x44: {  	_ =	shalt  }
0x45: {  	_ =	shalt  }
0x46: {  	_ =	shalt  }
0x47: {  	_ =	shalt  }
0x48: {  	_ =	shalt  }
0x49: {  	_ =	shalt  }
0x4a: {  	_ =	shalt  }
0x4b: {  	_ =	shalt  }
0x4c: {  	_ =	shalt  }
0x4d: {  	_ =	shalt  }
0x4e: {  	_ =	shalt  }
0x4f: {  	_ =	shalt  }
0x50: {  	_ =	shalt  }
0x51: {  	_ =	shalt  }
0x52: {  	_ =	shalt  }
0x53: {  	_ =	shalt  }
0x54: {  	_ =	shalt  }
0x55: {  	_ =	shalt  }
0x56: {  	_ =	shalt  }
0x57: {  	_ =	shalt  }
0x58: {  	_ =	shalt  }
0x59: {  	_ =	shalt  }
0x5a: {  	_ =	shalt  }
0x5b: {  	_ =	shalt  }
0x5c: {  	_ =	shalt  }
0x5d: {  	_ =	shalt  }
0x5e: {  	_ =	shalt  }
0x5f: {  	_ =	shalt  }
0x60: {  	_ =	shalt  }
0x61: {  	_ =	shalt  }
0x62: {  	_ =	shalt  }
0x63: {  	_ =	shalt  }
0x64: {  	_ =	shalt  }
0x65: {  	_ =	shalt  }
0x66: {  	_ =	shalt  }
0x67: {  	_ =	shalt  }
0x68: {  	_ =	shalt  }
0x69: {  	_ =	shalt  }
0x6a: {  	_ =	shalt  }
0x6b: {  	_ =	shalt  }
0x6c: {  	_ =	shalt  }
0x6d: {  	_ =	shalt  }
0x6e: {  	_ =	shalt  }
0x6f: {  	_ =	shalt  }
0x70: {  	_ =	shalt  }
0x71: {  	_ =	shalt  }
0x72: {  	_ =	shalt  }
0x73: {  	_ =	shalt  }
0x74: {  	_ =	shalt  }
0x75: {  	_ =	shalt  }
0x76: {  	_ =	shalt  }
0x77: {  	_ =	shalt  }
0x78: {  	_ =	shalt  }
0x79: {  	_ =	shalt  }
0x7a: {  	_ =	shalt  }
0x7b: {  	_ =	shalt  }
0x7c: {  	_ =	shalt  }
0x7d: {  	_ =	shalt  }
0x7e: {  	_ =	shalt  }
0x7f: {  	_ =	shalt  }
0x80: {  	_ =	shalt  }
0x81: {  	_ =	shalt  }
0x82: {  	_ =	shalt  }
0x83: {  	_ =	shalt  }
0x84: {  	_ =	shalt  }
0x85: {  	_ =	shalt  }
0x86: {  	_ =	shalt  }
0x87: {  	_ =	shalt  }
.Lfunc_end0:
.L_simem_size_0:
called_computation.1_lowered:
.L_overlay_start_0:
0x88: {  	s2 =	sld [smem:$0x3FD9]  }
0x89: {  	s3 =	sld [smem:$0x3FFE];
	_ =	sdelay $0x1  }
0x8a: {  	s1 =	srdreg.scid  }
0x8b: {  	s0 =	sand.u32 $0x1, s1  }
0x8c: {  	s17 =	sshll.u32 s0, $0xA;
	s2 =	sadd.s32 s3, s2  }
0x8d: {  	s2 =	sadd.s32 s2, s17  }
0x8e: {  	[smem:$0x3FC6] =	sst s2  }
0x8f: {  	_ = 	snop  }
0x90: {  	s2 =	sld [smem:$0x3FC8]  }
0x91: {  	s18 =	sld [smem:$0x3FD0];
	(tm) =	ssettm $0x1  }
0x92: {  	s4 =	sld [smem:$0x3FFB];
	_ =	sdelay $0x3  }
0x93: {  	_ =	strace s4  }
0x94: {  	s4 =	sld [smem:$0x3FFC];
	_ =	sdelay $0x3  }
0x95: {  	_ =	strace s4  }
0x96: {  	s4 =	sld [smem:$0x3FFD];
	_ =	sdelay $0x3  }
0x97: {  	_ =	strace s4  }
0x98: {  	_ =	strace $0x8FFFFFFF  }
0x99: {  	s19 =	sld [smem:$0x3FDB];
	_ =	sdelay $0x1  }
0x9a: {  	s5 =	simm.s32 $_scs_section_size  }
0x9b: {  	s6 =	simm.s32 $_size__tile_overlayer_lowered;
	s7 =	simm.s32 $_tile_overlayer_lowered  }
0x9c: {  	s22 =	simm.s32 $0x1BFF;
	s21 =	sshll.u32 s7, $0x1;
	s4 =	sadd.s32 s5, s19  }
0x9d: {  	s8 =	simm.s32 $0x0;
	s20 =	sshll.u32 s6, $0x1;
	s6 =	sadd.s32 s21, s4  }
0x9e: {  	[timem:s8], [sflag:s22] =	dma.local [hbm:s6], s20  }
0x9f: {  	_ =	swait.ge [sflag:s22], s20  }
0xa0: {  	s5 =	ssub.s32 $0x0, s20;
	[sflag:s22] =	ssyncset.done $0x0  }
0xa1: {  	[sflag:s22] =	ssyncadd.s32 s5;
	_ =	sdelay $0x1  }
0xa2: {  	s23 =	simm.s32 $0x1B8B  }
0xa3: {  	_ =	swait.ge [sflag:s23], $0x1  }
0xa4: {  	[sflag:s23] =	ssyncset.done $0x0  }
0xa5: {  	s25 =	simm.s32 $0x1B8E;
	s24 =	sld [smem:$0x3FFE];
	[sflag:s23] =	ssyncadd.s32 $0xFFFFFFFF  }
0xa6: {  	s26 =	simm.s32 $execute0_lowered;
	[smem:$0x3FD2] =	sst s25  }
0xa7: {  	s6 =	sshll.u32 s26, $0x1;
	_ =	strace $0x80000046;
	[dreg:$0x1] =	wrdreg $0xFFFFFFFF  }
0xa8: {  	s28 =	simm.s32 $_size_execute0_lowered;
	s4 =	sadd.s32 s4, s6;
	[dreg:$0x0] =	wrdreg $0x0  }
0xa9: {  	s6 =	sshll.u32 s28, $0x1;
	[dreg:$0x2] =	wrdreg s4  }
0xaa: {  	[dreg:$0x3] =	wrdreg s6  }
0xab: {  	[dreg:$0x4] =	wrdreg $0xC0  }
0xac: {  	_ =	task [dreg:s8], $0x5FFFF  }
0xad: {  	[dreg:$0x1] =	wrdreg $0xFFFFFFFF  }
0xae: {  	[dreg:$0x0] =	wrdreg $0x60  }
0xaf: {  	[dreg:$0x2] =	wrdreg s24  }
0xb0: {  	[dreg:$0x3] =	wrdreg s2  }
0xb1: {  	[dreg:$0x4] =	wrdreg s18  }
0xb2: {  	[dreg:$0x5] =	wrdreg $0x9  }
0xb3: {  	_ =	task.clear_ibuf [dreg:s8], $0x6FFFF;
	_ =	strace $0x90000046  }
0xb4: {  	s29 =	simm.s32 $0x9;
	_ =	strace $0x80000048  }
0xb5: {  	_ =	swait.ge [sflag:s29], $0x1  }
0xb6: {  	[sflag:s29] =	ssyncadd.s32 $0xFFFFFFFF  }
0xb7: {  	_ =	strace $0x90000048  }
0xb8: {  	_ =	sfence  }
0xb9: {  	s30 =	sld [smem:$0x0];
	_ =	sdelay $0x2  }
0xba: {  	s31 =	sshll.u32 s1, $0xD;
	s1 =	sshrl.u32 s1, $0x2  }
0xbb: {  	s3 =	sand.u32 $0x4000, s31;
	s1 =	sadd.s32 s1, s30  }
0xbc: {  	s0 =	sor.u32 s3, s0;
	s1 =	sshll.u32 s1, $0x11  }
0xbd: {  	s0 =	sor.u32 s1, s0  }
0xbe: {  	s0 =	sadd.s32 $0x8F2B, s0  }
0xbf: {  	[sflag:s0] =	ssyncadd.remote.s32 $0x1  }
0xc0: {  	_ =	sfence.sel $0xFFFF  }
0xc1: {  	[dreg:$0x0] =	wrdreg $0xFFFFFFFF;
	(pc) =	sbr.abs _section_cstart, $3  }
0xc2: {  	[dreg:$0x1] =	wrdreg $0xFFFFFFFF  }
0xc3: {  	_ =	task.clear_ibuf [dreg:s8], $0x2FFFF;
	_ =	strace $0x9FFFFFFF  }
0xc4: {  	(tm) =	ssettm $0x7FFFFFFF  }
0xc5: {  	_ =	shalt  }
tec
execute0_lowered:
.L_overlay_start_1:
0x0: {  	(tag) =	ssettag $0x1  }
0x1: {  	s0 =	rddreg [dreg:$0x0];
	s1 =	srdreg.scid  }
0x2: {  	s9 =	stileid.u32;
	s2 =	rddreg [dreg:$0x1]  }
0x3: {  	s5 =	rddreg [dreg:$0x2];
	s17 =	simm.s32 $0xB;
	s18 =	simm.s32 $0x80  }
0x4: {  	s19 =	simm.s32 $0x1C00;
	s28 =	simm.s32 $0x3;
	s30 =	simm.s32 $0x11C00  }
0x5: {  	s1 =	sand.u32 $0x1, s1;
	s3 =	sshll.u32 s9, $0x1;
	s25 =	smul.u32 $0x32000, s9  }
0x6: {  	s4 =	sor.u32 s1, s3;
	s8 =	ssub.s32 $0x2, s1;
	s1 =	smul.u32 $0x19000, s1  }
0x7: {  	s31 =	simm.s32 $0x4;
	s3 =	simm.s32 $0x0;
	s6 =	smul.u32 $0x380, s4  }
0x8: {  	s29 =	simm.s32 $0x9;
	[smem:$0x7FF] =	sst s3;
	s7 =	smul.u32 $0xC8000, s4  }
0x9: {  	s4 =	smul.u32 $0x19000, s4;
	s20 =	sshrl.u32 s8, $0x1;
	_ =	strace $0x80000047  }
0xa: {  	s0 =	sadd.s32 s6, s0;
	s7 =	sshrl.u32 s7, $0x3;
	s6 =	ssub.s32 s8, s20  }
0xb: {  	s4 =	sadd.s32 s5, s4;
	s20 =	simm.s32 $0x5C00;
	s0 =	sadd.s32 $0x800, s0  }
0xc: {  	s7 =	sadd.s32 s5, s7;
	s21 =	sadd.s32 $0x800, s4;
	[dreg:$0x4] =	wrdreg s0  }
0xd: {  	s15 =	smax.u32 s6, $0x1;
	s6 =	simm.s32 $0x0;
	[dreg:$0x5] =	wrdreg s21  }
0xe: {  	s22 =	sadd.s32 $0x1000, s7;
	s23 =	sadd.s32 $0x1800, s7;
	s24 =	sadd.s32 $0x2000, s7  }
0xf: {  	s26 =	sadd.s32 $0x16800, s7;
	s11 =	sadd.s32 $0x17000, s7;
	s12 =	sadd.s32 $0x17800, s7  }
0x10: {  	s13 =	sadd.s32 $0x18000, s7;
	s0 =	sadd.s32 s25, s5;
	[dreg:$0x6] =	wrdreg s22  }
0x11: {  	s14 =	sadd.s32 $0x18800, s7;
	s21 =	simm.s32 $0x1;
	[dreg:$0x7] =	wrdreg s23  }
0x12: {  	s25 =	simm.s32 $0x7;
	s5 =	simm.s32 $0xA;
	[dreg:$0x8] =	wrdreg s24  }
0x13: {  	[dreg:$0x9] =	wrdreg s26;
	s0 =	sadd.s32 s1, s0;
	s23 =	simm.s32 $0x9C00  }
0x14: {  	s24 =	simm.s32 $0x2;
	s26 =	simm.s32 $0xDC00;
	s1 =	simm.s32 $0x6  }
0x15: {  	s22 =	simm.s32 $0x5;
	s16 =	sadd.s32 $0x4800, s0;
	s0 =	simm.s32 $0x8  }
.LBB2_1:
0x16: {  	s7 =	rddreg [dreg:$0x4]  }
0x17: {  	[tilespmem:s3], [sflag:$0xB] =	stream.linear.gather [hbm4b:s7+s3], $0x1900, $0x38;
	[tilespmem:$0x15C00] =	vst v63  }
0x18: {  	_ =	swait.ge [sflag:s17], $0x1900  }
0x19: {  	[sflag:s17] =	ssyncset.done $0x0  }
0x1a: {  	[sflag:s17] =	ssyncadd.s32 $0xFFFFE700  }
0x1b: {  	[tilespmem:s19], [sflag:$0x1] =	stream.indirect.gather [hbm4b:s2+s18], $0x80, s3, s18, $0xb8;
	[tilespmem:$0x15C00] =	vst v63  }
0x1c: {  	_ = 	snop  }
0x1d: {  	[tilespmem:s20], [sflag:$0x2] =	stream.indirect.gather [hbm4b:s2+s18], $0x80, s18, s18, $0xb8;
	[tilespmem:$0x15C00] =	vst v63  }
0x1e: {  	_ =	swait.ge [sflag:s21], $0x4000  }
0x1f: {  	[sflag:s21] =	ssyncset.done $0x0  }
0x20: {  	[sflag:s21] =	ssyncadd.s32 $0xFFFFC000  }
0x21: {  	[hbm4b:s4+s3] =	stream.linear.scatter [tilespmem:s19], [sflag:$0x6], $0x4000, $0x38;
	[tilespmem:$0x15C00] =	vst v63  }
0x22: {  	s9 =	simm.s32 $0x100  }
0x23: {  	[tilespmem:s23], [sflag:$0x3] =	stream.indirect.gather [hbm4b:s2+s18], $0x80, s9, s18, $0xb8;
	[tilespmem:$0x15C00] =	vst v63  }
0x24: {  	_ =	swait.ge [sflag:s24], $0x4000  }
0x25: {  	[sflag:s24] =	ssyncset.done $0x0  }
0x26: {  	s10 =	rddreg [dreg:$0x5];
	[sflag:s24] =	ssyncadd.s32 $0xFFFFC000  }
0x27: {  	[hbm4b:s10+s3] =	stream.linear.scatter [tilespmem:s20], [sflag:$0x7], $0x4000, $0x38;
	[tilespmem:$0x15C00] =	vst v63  }
0x28: {  	s8 =	simm.s32 $0x180  }
0x29: {  	[tilespmem:s26], [sflag:$0x4] =	stream.indirect.gather [hbm4b:s2+s18], $0x80, s8, s18, $0xb8;
	[tilespmem:$0x15C00] =	vst v63  }
0x2a: {  	_ =	swait.ge [sflag:s28], $0x4000  }
0x2b: {  	[sflag:s28] =	ssyncset.done $0x0  }
0x2c: {  	s9 =	rddreg [dreg:$0x6];
	[sflag:s28] =	ssyncadd.s32 $0xFFFFC000  }
0x2d: {  	[hbm4b:s9+s3] =	stream.linear.scatter [tilespmem:s23], [sflag:$0x8], $0x4000, $0x38;
	[tilespmem:$0x15C00] =	vst v63  }
0x2e: {  	s10 =	simm.s32 $0x200  }
0x2f: {  	[tilespmem:s30], [sflag:$0x5] =	stream.indirect.gather [hbm4b:s2+s18], $0x80, s10, s18, $0xb8;
	[tilespmem:$0x15C00] =	vst v63  }
0x30: {  	_ =	swait.ge [sflag:s31], $0x4000  }
0x31: {  	[sflag:s31] =	ssyncset.done $0x0  }
0x32: {  	s8 =	rddreg [dreg:$0x7];
	[sflag:s31] =	ssyncadd.s32 $0xFFFFC000  }
0x33: {  	[hbm4b:s8+s3] =	stream.linear.scatter [tilespmem:s26], [sflag:$0x9], $0x4000, $0x38;
	[tilespmem:$0x15C00] =	vst v63  }
0x34: {  	_ =	swait.ge [sflag:s1], $0x4000  }
0x35: {  	[sflag:s1] =	ssyncset.done $0x0  }
0x36: {  	s9 =	simm.s32 $0x280;
	[sflag:s1] =	ssyncadd.s32 $0xFFFFC000  }
0x37: {  	[tilespmem:s19], [sflag:$0x1] =	stream.indirect.gather [hbm4b:s2+s18], $0x80, s9, s18, $0xb8;
	[tilespmem:$0x15C00] =	vst v63  }
0x38: {  	_ =	swait.ge [sflag:s22], $0x4000  }
0x39: {  	[sflag:s22] =	ssyncset.done $0x0  }
0x3a: {  	s10 =	rddreg [dreg:$0x8];
	[sflag:s22] =	ssyncadd.s32 $0xFFFFC000  }
0x3b: {  	[hbm4b:s10+s3] =	stream.linear.scatter [tilespmem:s30], [sflag:$0xA], $0x4000, $0x38;
	[tilespmem:$0x15C00] =	vst v63  }
0x3c: {  	_ =	swait.ge [sflag:s25], $0x4000  }
0x3d: {  	[sflag:s25] =	ssyncset.done $0x0  }
0x3e: {  	s8 =	simm.s32 $0x300;
	[sflag:s25] =	ssyncadd.s32 $0xFFFFC000  }
0x3f: {  	[tilespmem:s20], [sflag:$0x2] =	stream.indirect.gather [hbm4b:s2+s18], $0x80, s8, s18, $0xb8;
	[tilespmem:$0x15C00] =	vst v63  }
0x40: {  	_ =	swait.ge [sflag:s21], $0x4000  }
0x41: {  	[sflag:s21] =	ssyncset.done $0x0  }
0x42: {  	s9 =	sadd.s32 $0xFFFFE000, s16;
	[sflag:s21] =	ssyncadd.s32 $0xFFFFC000  }
0x43: {  	[hbm4b:s9+s3] =	stream.linear.scatter [tilespmem:s19], [sflag:$0x6], $0x4000, $0x38;
	[tilespmem:$0x15C00] =	vst v63  }
0x44: {  	_ =	swait.ge [sflag:s0], $0x4000  }
0x45: {  	[sflag:s0] =	ssyncset.done $0x0  }
0x46: {  	s10 =	simm.s32 $0x380;
	[sflag:s0] =	ssyncadd.s32 $0xFFFFC000  }
0x47: {  	[tilespmem:s23], [sflag:$0x3] =	stream.indirect.gather [hbm4b:s2+s18], $0x80, s10, s18, $0xb8;
	[tilespmem:$0x15C00] =	vst v63  }
0x48: {  	_ =	swait.ge [sflag:s24], $0x4000  }
0x49: {  	[sflag:s24] =	ssyncset.done $0x0  }
0x4a: {  	s8 =	sadd.s32 $0xFFFFE800, s16;
	[sflag:s24] =	ssyncadd.s32 $0xFFFFC000  }
0x4b: {  	[hbm4b:s8+s3] =	stream.linear.scatter [tilespmem:s20], [sflag:$0x7], $0x4000, $0x38;
	[tilespmem:$0x15C00] =	vst v63  }
0x4c: {  	_ =	swait.ge [sflag:s29], $0x4000  }
0x4d: {  	[sflag:s29] =	ssyncset.done $0x0  }
0x4e: {  	s9 =	simm.s32 $0x400;
	[sflag:s29] =	ssyncadd.s32 $0xFFFFC000  }
0x4f: {  	[tilespmem:s26], [sflag:$0x4] =	stream.indirect.gather [hbm4b:s2+s18], $0x80, s9, s18, $0xb8;
	[tilespmem:$0x15C00] =	vst v63  }
0x50: {  	_ =	swait.ge [sflag:s28], $0x4000  }
0x51: {  	[sflag:s28] =	ssyncset.done $0x0  }
0x52: {  	s10 =	sadd.s32 $0xFFFFF000, s16;
	[sflag:s28] =	ssyncadd.s32 $0xFFFFC000  }
0x53: {  	[hbm4b:s10+s3] =	stream.linear.scatter [tilespmem:s23], [sflag:$0x8], $0x4000, $0x38;
	[tilespmem:$0x15C00] =	vst v63  }
0x54: {  	_ =	swait.ge [sflag:s5], $0x4000  }
0x55: {  	[sflag:s5] =	ssyncset.done $0x0  }
0x56: {  	s8 =	simm.s32 $0x480;
	[sflag:s5] =	ssyncadd.s32 $0xFFFFC000  }
0x57: {  	[tilespmem:s30], [sflag:$0x5] =	stream.indirect.gather [hbm4b:s2+s18], $0x80, s8, s18, $0xb8;
	[tilespmem:$0x15C00] =	vst v63  }
0x58: {  	_ =	swait.ge [sflag:s31], $0x4000  }
0x59: {  	[sflag:s31] =	ssyncset.done $0x0  }
0x5a: {  	s9 =	sadd.s32 $0xFFFFF800, s16;
	[sflag:s31] =	ssyncadd.s32 $0xFFFFC000  }
0x5b: {  	[hbm4b:s9+s3] =	stream.linear.scatter [tilespmem:s26], [sflag:$0x9], $0x4000, $0x38;
	[tilespmem:$0x15C00] =	vst v63  }
0x5c: {  	_ =	swait.ge [sflag:s1], $0x4000  }
0x5d: {  	[sflag:s1] =	ssyncset.done $0x0  }
0x5e: {  	s10 =	simm.s32 $0x500;
	[sflag:s1] =	ssyncadd.s32 $0xFFFFC000  }
0x5f: {  	[tilespmem:s19], [sflag:$0x1] =	stream.indirect.gather [hbm4b:s2+s18], $0x80, s10, s18, $0xb8;
	[tilespmem:$0x15C00] =	vst v63  }
0x60: {  	_ =	swait.ge [sflag:s22], $0x4000  }
0x61: {  	[sflag:s22] =	ssyncset.done $0x0  }
0x62: {  	[sflag:s22] =	ssyncadd.s32 $0xFFFFC000  }
0x63: {  	[hbm4b:s16+s3] =	stream.linear.scatter [tilespmem:s30], [sflag:$0xA], $0x4000, $0x38;
	[tilespmem:$0x15C00] =	vst v63  }
0x64: {  	_ =	swait.ge [sflag:s25], $0x4000  }
0x65: {  	s7 =	simm.s32 $0xA00;
	[sflag:s25] =	ssyncset.done $0x0  }
0x66: {  	s8 =	sadd.s32 $0x2800, s16;
	s9 =	simm.s32 $0x580;
	[sflag:s25] =	ssyncadd.s32 $0xFFFFC000  }
.LBB2_2:
0x67: {  	[tilespmem:s20], [sflag:$0x2] =	stream.indirect.gather [hbm4b:s2+s18], $0x80, s9, s18, $0xb8;
	[tilespmem:$0x15C00] =	vst v63  }
0x68: {  	s9 =	smov.u32 s7  }
0x69: {  	p0 =	sne.s32 s7, $0x4600;
	s7 =	sadd.s32 $0xA00, s7;
	_ =	swait.ge [sflag:s21], $0x4000  }
0x6a: {  	[sflag:s21] =	ssyncset.done $0x0  }
0x6b: {  	s10 =	sadd.s32 $0xFFFFE000, s8;
	[sflag:s21] =	ssyncadd.s32 $0xFFFFC000  }
0x6c: {  	[hbm4b:s10+s3] =	stream.linear.scatter [tilespmem:s19], [sflag:$0x6], $0x4000, $0x38;
	[tilespmem:$0x15C00] =	vst v63  }
0x6d: {  	_ =	swait.ge [sflag:s0], $0x4000  }
0x6e: {  	s9 =	sshra.s32 s9, $0x2;
	[sflag:s0] =	ssyncset.done $0x0  }
0x6f: {  	s10 =	sadd.s32 $0x380, s9;
	[sflag:s0] =	ssyncadd.s32 $0xFFFFC000  }
0x70: {  	[tilespmem:s23], [sflag:$0x3] =	stream.indirect.gather [hbm4b:s2+s18], $0x80, s10, s18, $0xb8;
	[tilespmem:$0x15C00] =	vst v63  }
0x71: {  	_ =	swait.ge [sflag:s24], $0x4000  }
0x72: {  	[sflag:s24] =	ssyncset.done $0x0  }
0x73: {  	s10 =	sadd.s32 $0xFFFFE800, s8;
	[sflag:s24] =	ssyncadd.s32 $0xFFFFC000  }
0x74: {  	[hbm4b:s10+s3] =	stream.linear.scatter [tilespmem:s20], [sflag:$0x7], $0x4000, $0x38;
	[tilespmem:$0x15C00] =	vst v63  }
0x75: {  	_ =	swait.ge [sflag:s29], $0x4000  }
0x76: {  	[sflag:s29] =	ssyncset.done $0x0  }
0x77: {  	s10 =	sadd.s32 $0x400, s9;
	[sflag:s29] =	ssyncadd.s32 $0xFFFFC000  }
0x78: {  	[tilespmem:s26], [sflag:$0x4] =	stream.indirect.gather [hbm4b:s2+s18], $0x80, s10, s18, $0xb8;
	[tilespmem:$0x15C00] =	vst v63  }
0x79: {  	_ =	swait.ge [sflag:s28], $0x4000  }
0x7a: {  	[sflag:s28] =	ssyncset.done $0x0  }
0x7b: {  	s10 =	sadd.s32 $0xFFFFF000, s8;
	[sflag:s28] =	ssyncadd.s32 $0xFFFFC000  }
0x7c: {  	[hbm4b:s10+s3] =	stream.linear.scatter [tilespmem:s23], [sflag:$0x8], $0x4000, $0x38;
	[tilespmem:$0x15C00] =	vst v63  }
0x7d: {  	_ =	swait.ge [sflag:s5], $0x4000  }
0x7e: {  	[sflag:s5] =	ssyncset.done $0x0  }
0x7f: {  	s10 =	sadd.s32 $0x480, s9;
	[sflag:s5] =	ssyncadd.s32 $0xFFFFC000  }
0x80: {  	[tilespmem:s30], [sflag:$0x5] =	stream.indirect.gather [hbm4b:s2+s18], $0x80, s10, s18, $0xb8;
	[tilespmem:$0x15C00] =	vst v63  }
0x81: {  	_ =	swait.ge [sflag:s31], $0x4000  }
0x82: {  	[sflag:s31] =	ssyncset.done $0x0  }
0x83: {  	s10 =	sadd.s32 $0xFFFFF800, s8;
	[sflag:s31] =	ssyncadd.s32 $0xFFFFC000  }
0x84: {  	[hbm4b:s10+s3] =	stream.linear.scatter [tilespmem:s26], [sflag:$0x9], $0x4000, $0x38;
	[tilespmem:$0x15C00] =	vst v63  }
0x85: {  	_ =	swait.ge [sflag:s1], $0x4000  }
0x86: {  	[sflag:s1] =	ssyncset.done $0x0  }
0x87: {  	s10 =	sadd.s32 $0x500, s9;
	[sflag:s1] =	ssyncadd.s32 $0xFFFFC000  }
0x88: {  	[tilespmem:s19], [sflag:$0x1] =	stream.indirect.gather [hbm4b:s2+s18], $0x80, s10, s18, $0xb8;
	[tilespmem:$0x15C00] =	vst v63  }
0x89: {  	_ =	swait.ge [sflag:s22], $0x4000  }
0x8a: {  	[sflag:s22] =	ssyncset.done $0x0  }
.Ltmp0:
0x8b: {  	[sflag:s22] =	ssyncadd.s32 $0xFFFFC000;
	(pc) =	sbr.rel @p0 .LBB2_2-.Ltmp0, $4  }
0x8c: {  	[hbm4b:s8+s3] =	stream.linear.scatter [tilespmem:s30], [sflag:$0xA], $0x4000, $0x38;
	[tilespmem:$0x15C00] =	vst v63  }
0x8d: {  	_ =	swait.ge [sflag:s25], $0x4000  }
0x8e: {  	[sflag:s25] =	ssyncset.done $0x0  }
0x8f: {  	s9 =	sadd.s32 $0x580, s9;
	s8 =	sadd.s32 $0x2800, s8;
	[sflag:s25] =	ssyncadd.s32 $0xFFFFC000  }
0x90: {  	[tilespmem:s20], [sflag:$0x2] =	stream.indirect.gather [hbm4b:s2+s18], $0x80, s9, s18, $0xb8;
	[tilespmem:$0x15C00] =	vst v63  }
0x91: {  	_ =	swait.ge [sflag:s21], $0x4000  }
0x92: {  	[sflag:s21] =	ssyncset.done $0x0  }
0x93: {  	s7 =	rddreg [dreg:$0x9];
	[sflag:s21] =	ssyncadd.s32 $0xFFFFC000  }
0x94: {  	[hbm4b:s7+s3] =	stream.linear.scatter [tilespmem:s19], [sflag:$0x6], $0x4000, $0x38;
	[tilespmem:$0x15C00] =	vst v63  }
0x95: {  	_ =	swait.ge [sflag:s0], $0x4000  }
0x96: {  	[sflag:s0] =	ssyncset.done $0x0  }
0x97: {  	s8 =	simm.s32 $0x1780;
	[sflag:s0] =	ssyncadd.s32 $0xFFFFC000  }
0x98: {  	[tilespmem:s23], [sflag:$0x3] =	stream.indirect.gather [hbm4b:s2+s18], $0x80, s8, s18, $0xb8;
	[tilespmem:$0x15C00] =	vst v63  }
0x99: {  	_ =	swait.ge [sflag:s24], $0x4000  }
0x9a: {  	[sflag:s24] =	ssyncset.done $0x0  }
0x9b: {  	[sflag:s24] =	ssyncadd.s32 $0xFFFFC000  }
0x9c: {  	[hbm4b:s11+s3] =	stream.linear.scatter [tilespmem:s20], [sflag:$0x7], $0x4000, $0x38;
	[tilespmem:$0x15C00] =	vst v63  }
0x9d: {  	_ =	swait.ge [sflag:s29], $0x4000  }
0x9e: {  	[sflag:s29] =	ssyncset.done $0x0  }
0x9f: {  	s9 =	simm.s32 $0x1800;
	[sflag:s29] =	ssyncadd.s32 $0xFFFFC000  }
0xa0: {  	[tilespmem:s26], [sflag:$0x4] =	stream.indirect.gather [hbm4b:s2+s18], $0x80, s9, s18, $0xb8;
	[tilespmem:$0x15C00] =	vst v63  }
0xa1: {  	_ =	swait.ge [sflag:s28], $0x4000  }
0xa2: {  	[sflag:s28] =	ssyncset.done $0x0  }
0xa3: {  	[sflag:s28] =	ssyncadd.s32 $0xFFFFC000  }
0xa4: {  	[hbm4b:s12+s3] =	stream.linear.scatter [tilespmem:s23], [sflag:$0x8], $0x4000, $0x38;
	[tilespmem:$0x15C00] =	vst v63  }
0xa5: {  	_ =	swait.ge [sflag:s5], $0x4000  }
0xa6: {  	[sflag:s5] =	ssyncset.done $0x0  }
0xa7: {  	s10 =	simm.s32 $0x1880;
	[sflag:s5] =	ssyncadd.s32 $0xFFFFC000  }
0xa8: {  	[tilespmem:s30], [sflag:$0x5] =	stream.indirect.gather [hbm4b:s2+s18], $0x80, s10, s18, $0xb8;
	[tilespmem:$0x15C00] =	vst v63  }
0xa9: {  	_ =	swait.ge [sflag:s31], $0x4000  }
0xaa: {  	[sflag:s31] =	ssyncset.done $0x0  }
0xab: {  	[sflag:s31] =	ssyncadd.s32 $0xFFFFC000  }
0xac: {  	[hbm4b:s13+s3] =	stream.linear.scatter [tilespmem:s26], [sflag:$0x9], $0x4000, $0x38;
	[tilespmem:$0x15C00] =	vst v63  }
0xad: {  	_ =	swait.ge [sflag:s22], $0x4000  }
0xae: {  	[sflag:s22] =	ssyncset.done $0x0  }
0xaf: {  	[sflag:s22] =	ssyncadd.s32 $0xFFFFC000  }
0xb0: {  	[hbm4b:s14+s3] =	stream.linear.scatter [tilespmem:s30], [sflag:$0xA], $0x4000, $0x38;
	[tilespmem:$0x15C00] =	vst v63  }
0xb1: {  	_ =	swait.ge [sflag:s1], $0x4000  }
0xb2: {  	[sflag:s1] =	ssyncset.done $0x0  }
0xb3: {  	[sflag:s1] =	ssyncadd.s32 $0xFFFFC000  }
0xb4: {  	_ =	swait.ge [sflag:s25], $0x4000  }
0xb5: {  	[sflag:s25] =	ssyncset.done $0x0  }
0xb6: {  	[sflag:s25] =	ssyncadd.s32 $0xFFFFC000  }
0xb7: {  	_ =	swait.ge [sflag:s0], $0x4000  }
0xb8: {  	[sflag:s0] =	ssyncset.done $0x0  }
0xb9: {  	s6 =	sadd.s32 $0x1, s6;
	[sflag:s0] =	ssyncadd.s32 $0xFFFFC000  }
0xba: {  	p0 =	sne.s32 s6, s15;
	_ =	swait.ge [sflag:s29], $0x4000  }
.Ltmp1:
0xbb: {  	[sflag:s29] =	ssyncset.done $0x0;
	(pc) =	sbr.rel @p0 .LBB2_1-.Ltmp1, $4  }
0xbc: {  	[sflag:s29] =	ssyncadd.s32 $0xFFFFC000  }
0xbd: {  	_ =	swait.ge [sflag:s5], $0x4000  }
0xbe: {  	[sflag:s5] =	ssyncset.done $0x0  }
0xbf: {  	[sflag:s5] =	ssyncadd.s32 $0xFFFFC000  }
0xc0: {  	_ =	sfence.sel $0x180000  }
0xc1: {  	[bflag:$0x0] =	sbarrier.arrive $0xFFFF  }
0xc2: {  	_ =	strace $0x90000047  }
0xc3: {  	s0 =	stileid.u32;
	[bflag:$0x2] =	sbarrier.arrive $0xFFFF  }
0xc4: {  	p0 =	sne.s32 s0, $0x0;
	s0 =	rddreg [dreg:$0x3]  }
0xc5: {  	s0 =	sadd.s32 @!p0 $0x100000, s0  }
0xc6: {  	[sflag:s0] =	ssyncadd.tile.s32 @!p0 $0x1;
	_ =	shalt  }
.Lfunc_end2:
_tile_overlayer_lowered:
.L_overlay_start_2:
0xc7: {  	(tag) =	ssettag $0x2  }
0xc8: {  	s0 =	rddreg [dreg:$0x0];
	s2 =	stileid.u32  }
0xc9: {  	s1 =	rddreg [dreg:$0x1];
	p0 =	sne.s32 s2, $0x0  }
0xca: {  	s3 =	rddreg [dreg:$0x2];
	[bflag:$0x3] =	sbarrier.arrive $0xFFFF;
	s2 =	simm.s32 @!p0 $0x1C0B  }
0xcb: {  	[timem:s3], [sflag:s2] =	dma.local @!p0 [hbm:s0], s1  }
0xcc: {  	s0 =	simm.s32 @!p0 $0xB  }
0xcd: {  	_ =	swait.ge @!p0 [sflag:s0], s1  }
0xce: {  	s1 =	ssub.s32 @!p0 $0x0, s1;
	[sflag:s0] =	ssyncset.done @!p0 $0x0  }
0xcf: {  	[sflag:s0] =	ssyncadd.s32 @!p0 s1  }
0xd0: {  	[bflag:$0x3] =	sbarrier.arrive $0xFFFF  }
0xd1: {  	_ =	shalt  }

// kernel: sparse-core-data-format-call.cloned.1.call-start
scs
called_computation_lowered:
.L_overlay_start_0:
0x0: {  	s2 =	sld [smem:$0x3FD9]  }
0x1: {  	s3 =	sld [smem:$0x3FFE];
	_ =	sdelay $0x1  }
0x2: {  	s1 =	srdreg.scid  }
0x3: {  	s0 =	sand.u32 $0x1, s1  }
0x4: {  	s18 =	sshll.u32 s0, $0xA;
	s2 =	sadd.s32 s3, s2  }
0x5: {  	s2 =	sadd.s32 s2, s18  }
0x6: {  	[smem:$0x3FC6] =	sst s2  }
0x7: {  	_ = 	snop  }
0x8: {  	s2 =	sld [smem:$0x3FD0];
	(tm) =	ssettm $0x1  }
0x9: {  	s19 =	sld [smem:$0x3FFB];
	_ =	sdelay $0x3  }
0xa: {  	_ =	strace s19  }
0xb: {  	s3 =	sld [smem:$0x3FFC];
	_ =	sdelay $0x3  }
0xc: {  	_ =	strace s3  }
0xd: {  	s3 =	sld [smem:$0x3FFD];
	_ =	sdelay $0x3  }
0xe: {  	_ =	strace s3  }
0xf: {  	_ =	strace $0x8FFFFFFF  }
0x10: {  	s20 =	sld [smem:$0x3FDB];
	_ =	sdelay $0x1  }
0x11: {  	s4 =	simm.s32 $_scs_section_size  }
0x12: {  	s5 =	simm.s32 $_size__tile_overlayer_lowered;
	s6 =	simm.s32 $_tile_overlayer_lowered  }
0x13: {  	s23 =	simm.s32 $0x1BFF;
	s22 =	sshll.u32 s6, $0x1;
	s3 =	sadd.s32 s4, s20  }
0x14: {  	s7 =	simm.s32 $0x0;
	s21 =	sshll.u32 s5, $0x1;
	s5 =	sadd.s32 s22, s3  }
0x15: {  	[timem:s7], [sflag:s23] =	dma.local [hbm:s5], s21  }
0x16: {  	_ =	swait.ge [sflag:s23], s21  }
0x17: {  	s4 =	ssub.s32 $0x0, s21;
	[sflag:s23] =	ssyncset.done $0x0  }
0x18: {  	[sflag:s23] =	ssyncadd.s32 s4;
	_ =	sdelay $0x1  }
0x19: {  	s24 =	simm.s32 $0x1B8B  }
0x1a: {  	_ =	swait.ge [sflag:s24], $0x1  }
0x1b: {  	[sflag:s24] =	ssyncset.done $0x0  }
0x1c: {  	s26 =	simm.s32 $0x1B8E;
	s25 =	sld [smem:$0x3FFE];
	[sflag:s24] =	ssyncadd.s32 $0xFFFFFFFF  }
0x1d: {  	s27 =	simm.s32 $execute0_lowered;
	[smem:$0x3FD2] =	sst s26  }
0x1e: {  	s5 =	sshll.u32 s27, $0x1;
	_ =	strace $0x80000049;
	[dreg:$0x1] =	wrdreg $0xFFFFFFFF  }
0x1f: {  	s28 =	simm.s32 $_size_execute0_lowered;
	s3 =	sadd.s32 s3, s5;
	[dreg:$0x0] =	wrdreg $0x0  }
0x20: {  	s5 =	sshll.u32 s28, $0x1;
	[dreg:$0x2] =	wrdreg s3  }
0x21: {  	[dreg:$0x3] =	wrdreg s5  }
0x22: {  	[dreg:$0x4] =	wrdreg $0xC0  }
0x23: {  	_ =	task [dreg:s7], $0x5FFFF  }
0x24: {  	[dreg:$0x1] =	wrdreg $0xFFFFFFFF  }
0x25: {  	[dreg:$0x0] =	wrdreg $0x60  }
0x26: {  	[dreg:$0x2] =	wrdreg s25  }
0x27: {  	[dreg:$0x3] =	wrdreg s2  }
0x28: {  	[dreg:$0x4] =	wrdreg $0x9  }
0x29: {  	_ =	task.clear_ibuf [dreg:s7], $0x5FFFF;
	_ =	strace $0x90000049  }
0x2a: {  	s29 =	simm.s32 $0x9;
	_ =	strace $0x8000004B  }
0x2b: {  	_ =	swait.ge [sflag:s29], $0x1  }
0x2c: {  	[sflag:s29] =	ssyncadd.s32 $0xFFFFFFFF  }
0x2d: {  	_ =	strace $0x9000004B  }
0x2e: {  	_ =	sfence  }
0x2f: {  	s30 =	sld [smem:$0x0];
	_ =	sdelay $0x2  }
0x30: {  	s31 =	sshll.u32 s1, $0xD;
	s1 =	sshrl.u32 s1, $0x2  }
0x31: {  	s3 =	sand.u32 $0x4000, s31;
	s1 =	sadd.s32 s1, s30  }
0x32: {  	s0 =	sor.u32 s3, s0;
	s1 =	sshll.u32 s1, $0x11  }
0x33: {  	s0 =	sor.u32 s1, s0  }
0x34: {  	s0 =	sadd.s32 $0x8F2B, s0  }
0x35: {  	[sflag:s0] =	ssyncadd.remote.s32 $0x1  }
0x36: {  	_ =	sfence.sel $0xFFFF  }
0x37: {  	[dreg:$0x0] =	wrdreg $0xFFFFFFFF;
	(pc) =	sbr.abs _section_cstart, $3  }
0x38: {  	[dreg:$0x1] =	wrdreg $0xFFFFFFFF  }
0x39: {  	_ =	task.clear_ibuf [dreg:s7], $0x2FFFF;
	_ =	strace $0x9FFFFFFF  }
0x3a: {  	(tm) =	ssettm $0x7FFFFFFF  }
0x3b: {  	_ =	shalt  }
tec
execute0_lowered:
.L_overlay_start_1:
0x0: {  	(tag) =	ssettag $0x1  }
0x1: {  	s0 =	srdreg.scid  }
0x2: {  	s1 =	sshll.u32 s0, $0x4  }
0x3: {  	s0 =	stileid.u32;
	s1 =	sand.u32 $0x10, s1  }
0x4: {  	s1 =	sor.u32 s0, s1  }
0x5: {  	s6 =	rddreg [dreg:$0x0];
	s4 =	simm.s32 $0x1;
	s2 =	sshll.u32 s1, $0x6  }
0x6: {  	s7 =	simm.s32 $0x2;
	s13 =	simm.s32 $0x0;
	s1 =	ssub.s32 $0x1000, s2  }
0x7: {  	s8 =	simm.s32 $0x2000;
	s9 =	simm.s32 $0x80000;
	s3 =	sand.u32 $0x7C0, s1  }
0x8: {  	s14 =	simm.s32 $0x0;
	s5 =	sshrl.u32 s1, $0xB;
	p0 =	sne.s32 s3, $0x0  }
.Ltmp0:
0x9: {  	s1 =	rddreg [dreg:$0x2];
	s4 =	simm.s32 @!p0 $0x0;
	(pc) =	sbr.rel .LBB1_1-.Ltmp0, $4  }
0xa: {  	s10 =	simm.s32 $0x0;
	s3 =	rddreg [dreg:$0x1];
	s5 =	sadd.s32 s4, s5  }
0xb: {  	_ =	strace $0x8000004A;
	s4 =	simm.s32 $0x1;
	s5 =	smul.u32 $0x19, s5  }
0xc: {  	s12 =	simm.s32 $0x0;
	s6 =	sadd.s32 $0x800, s6;
	[sflag:s4] =	ssyncpa.u1 $0x0  }
0xd: {  	s11 =	smov.u32 s2;
	[sflag:s7] =	ssyncpa.u1 $0x0;
	s7 =	sadd.s32 $0x1, s5  }
.LBB1_7:
0xe: {  	s15 =	sadd.s32 $0x2, s10  }
0xf: {  	s13 =	sadd.s32 $0x800, s11;
	s17 =	smov.u32 s11;
	p1 =	sgt.s32 s15, $0x31  }
0x10: {  	s17 =	smov.u32 @p1 s13  }
0x11: {  	s15 =	simm.s32 @p1 $0x0;
	p1 =	sgt.s32 s17, $0xFFF  }
0x12: {  	s17 =	smov.u32 @p1 s2;
	p1 =	sne.s32 s12, s7  }
.Ltmp1:
0x13: {  	p0 =	slt.u32 s12, $0x2;
	(pc) =	sbr.rel @!p1 .LBB1_8-.Ltmp1, $4  }
0x14: {  	s16 =	simm.s32 @!p0 $0x2  }
0x15: {  	s14 =	smov.u32 s11;
	_ =	swait.ge @!p0 [sflag:s16], $0x4000  }
0x16: {  	s13 =	smov.u32 s10;
	[sflag:s16] =	ssyncset.done @!p0 $0x0;
	s10 =	smov.u32 s15  }
0x17: {  	s12 =	sadd.s32 $0x1, s12;
	[sflag:s16] =	ssyncadd.s32 @!p0 $0xFFFFC000;
	s11 =	smov.u32 s17  }
.LBB1_1:
0x18: {  	p0 =	sge.u32 s12, s5  }
0x19: {  	s15 =	sand.u32 @!p0 $0x1FFFFFF, s10  }
0x1a: {  	s16 =	smulhi.u32 @!p0 $0x4924925, s15;
	_ =	sdelay $0x1  }
0x1b: {  	s16 =	smul.u32 @!p0 $0x38, s16  }
0x1c: {  	s17 =	sxor.u32 @!p0 $0xFFFFFFFF, s12;
	s18 =	smul.u32 @!p0 $0x380, s11  }
0x1d: {  	s31 =	sadd.s32 $0xFFFFFFFF, s12;
	s17 =	sshll.u32 @!p0 s17, $0xE;
	s15 =	ssub.s32 @!p0 s15, s16  }
0x1e: {  	s16 =	sand.u32 @!p0 $0x4000, s17;
	s17 =	sadd.s32 @!p0 s6, s18;
	s15 =	sshll.u32 @!p0 s15, $0x4  }
0x1f: {  	s18 =	simm.s32 @!p0 $0x1C00;
	s15 =	sadd.s32 @!p0 s15, s17;
	s17 =	simm.s32 @!p0 $0x100  }
0x20: {  	[tilespmem:s16], [sflag:$0x1] =	stream.strided.gather @!p0 [hbm4b:s15+s17], $0x4000, s18, s17, $0x38;
	[tilespmem:$0x10000] =	vst v63  }
0x21: {  	p0 =	sge.u32 s31, s5  }
.Ltmp2:
0x22: {  	_ = 	snop;
	(pc) =	sbr.rel @p0 .LBB1_7-.Ltmp2, $1  }
0x23: {  	_ =	sdelay $0x3  }
0x24: {  	_ =	swait.ge [sflag:s4], $0x4000;
	s15 =	sshll.u32 s12, $0xE  }
0x25: {  	[sflag:s4] =	ssyncset.done $0x0;
	s16 =	sand.u32 $0x4000, s15  }
0x26: {  	s17 =	simm.s32 $0x0;
	[sflag:s4] =	ssyncadd.s32 $0xFFFFC000;
	s15 =	sor.u32 $0x8000, s16  }
.LBB1_3:
0x27: {  	s18 =	sshll.u32 s17, $0x8  }
0x28: {  	s18 =	sand.u32 $0x3FFFFF00, s18  }
0x29: {  	s19 =	sshll.u32 s17, $0x7;
	s18 =	sadd.s32 s18, s16  }
0x2a: {  	s19 =	sand.u32 $0x3FFFFF80, s19;
	v0 =	vmov s18  }
0x2b: {  	s19 =	sadd.s32 s19, s15  }
0x2c: {  	p0 =	por $0x1, $0x1;
	v1 =	vmov s19;
	s18 =	simm.s32 $0x0  }
.LBB1_4:
0x2d: {  	s19 =	sshll.u32 s18, $0x7  }
0x2e: {  	s19 =	sand.u32 $0x3FFFFF80, s19  }
0x2f: {  	v2 =	vld.idx.msk [tilespmem:v0+s19+$0x0 ss:$0x1], $0xffff  }
0x30: {  	v3 =	vld.idx.msk [tilespmem:v0+s19+$0x10 ss:$0x1], $0xffff  }
0x31: {  	v4 =	vld.idx.msk [tilespmem:v0+s19+$0x20 ss:$0x1], $0xffff  }
0x32: {  	s31 =	sshll.u32 s18, $0xD;
	v5 =	vld.idx.msk [tilespmem:v0+s19+$0x30 ss:$0x1], $0xffff  }
0x33: {  	s18 =	sand.u32 $0x3FFFE000, s31;
	v6 =	vld.idx.msk [tilespmem:v0+s19+$0x40 ss:$0x1], $0xffff  }
0x34: {  	v63 =	vld.idx.msk [tilespmem:v0+s19+$0x70 ss:$0x1], $0xffff;
	[tilespmem:v1+s18+$0x0 ss:$0x1] =	vst.idx.msk $0xffff, v2  }
0x35: {  	v2 =	vld.idx.msk [tilespmem:v0+s19+$0x50 ss:$0x1], $0xffff;
	[tilespmem:v1+s18+$0x10 ss:$0x1] =	vst.idx.msk $0xffff, v3  }
0x36: {  	p1 =	por p0, p0;
	v3 =	vld.idx.msk [tilespmem:v0+s19+$0x60 ss:$0x1], $0xffff;
	[tilespmem:v1+s18+$0x20 ss:$0x1] =	vst.idx.msk $0xffff, v4  }
.Ltmp3:
0x37: {  	[tilespmem:v1+s18+$0x30 ss:$0x1] =	vst.idx.msk $0xffff, v5;
	(pc) =	sbr.rel @p1 .LBB1_4-.Ltmp3, $4  }
0x38: {  	[tilespmem:v1+s18+$0x40 ss:$0x1] =	vst.idx.msk $0xffff, v6  }
0x39: {  	[tilespmem:v1+s18+$0x70 ss:$0x1] =	vst.idx.msk $0xffff, v63  }
0x3a: {  	[tilespmem:v1+s18+$0x50 ss:$0x1] =	vst.idx.msk $0xffff, v2  }
0x3b: {  	p0 =	por $0x0, $0x0;
	[tilespmem:v1+s18+$0x60 ss:$0x1] =	vst.idx.msk $0xffff, v3;
	s18 =	simm.s32 $0x1  }
0x3c: {  	s17 =	sadd.s32 $0x1, s17  }
0x3d: {  	p0 =	sne.s32 s17, $0x40  }
.Ltmp4:
0x3e: {  	_ = 	snop;
	(pc) =	sbr.rel @p0 .LBB1_3-.Ltmp4, $1  }
0x3f: {  	_ =	sdelay $0x3  }
.Ltmp5:
0x40: {  	s14 =	sshll.u32 s14, $0x4;
	(pc) =	sbr.rel .LBB1_7-.Ltmp5, $4  }
0x41: {  	s14 =	sand.u32 $0xFFF0, s14  }
0x42: {  	s13 =	sshll.u32 s13, $0x10;
	s14 =	sadd.s32 s3, s14  }
0x43: {  	s13 =	sadd.s32 s13, s14  }
0x44: {  	[hbm4b:s13+s8] =	stream.strided.scatter [tilespmem:s15], [sflag:$0x2], $0x4000, s9, s8, $0x38;
	[tilespmem:$0x10000] =	vst v63  }
.LBB1_8:
0x45: {  	_ =	sfence.sel $0x180000  }
0x46: {  	s2 =	simm.s32 $0x1;
	[bflag:$0x0] =	sbarrier.arrive $0xFFFF  }
0x47: {  	s31 =	simm.s32 $0x2;
	[sflag:s2] =	ssyncpa.u1 $0x1  }
0x48: {  	[sflag:s31] =	ssyncpa.u1 $0x1  }
0x49: {  	p0 =	sne.s32 s0, $0x0;
	_ =	strace $0x9000004A  }
0x4a: {  	s0 =	sadd.s32 @!p0 $0x100000, s1;
	[bflag:$0x2] =	sbarrier.arrive $0xFFFF  }
0x4b: {  	[sflag:s0] =	ssyncadd.tile.s32 @!p0 $0x1;
	_ =	shalt  }
.Lfunc_end1:
_tile_overlayer_lowered:
.L_overlay_start_2:
0x4c: {  	(tag) =	ssettag $0x2  }
0x4d: {  	s0 =	rddreg [dreg:$0x0];
	s2 =	stileid.u32  }
0x4e: {  	s1 =	rddreg [dreg:$0x1];
	p0 =	sne.s32 s2, $0x0  }
0x4f: {  	s3 =	rddreg [dreg:$0x2];
	[bflag:$0x3] =	sbarrier.arrive $0xFFFF;
	s2 =	simm.s32 @!p0 $0x1C01  }
0x50: {  	[timem:s3], [sflag:s2] =	dma.local @!p0 [hbm:s0], s1  }
0x51: {  	s0 =	simm.s32 @!p0 $0x1  }
0x52: {  	_ =	swait.ge @!p0 [sflag:s0], s1  }
0x53: {  	s1 =	ssub.s32 @!p0 $0x0, s1;
	[sflag:s0] =	ssyncset.done @!p0 $0x0  }
0x54: {  	[sflag:s0] =	ssyncadd.s32 @!p0 s1  }
0x55: {  	[bflag:$0x3] =	sbarrier.arrive $0xFFFF  }
0x56: {  	_ =	shalt  }

</sc_bundles>
